<compile_context>
chip_gen: v7x
topology: tpu7x:2x2x1
jax: 0.10.2.dev20260603
libtpu: 0.0.44.dev20260713+nightly
codegen_flags: <defaults>
</compile_context>

<pallas_src>
import functools

import jax
import jax.numpy as jnp
from jax import lax
from jax.experimental import pallas as pl
from jax.experimental.pallas import tpu as pltpu
from jax.experimental.pallas import tpu_sc as plsc

_B = 16384
_D = 128
_P = 20
_N = 200
_R = 224
_RW = 256
_HALF = _R // 2

_NC = 2
_NS = 16
_NW = _NC * _NS
_BPW = _B // _NW


def _sc_dots_body(idx_hbm, table_hbm, dots_hbm, idx_v0, idx_v1, rows_v,
                  dots_v, sem):
    wid = lax.axis_index("s") * _NC + lax.axis_index("c")

    def body(i, carry):
        b = wid * _BPW + i
        pltpu.sync_copy(idx_hbm.at[2 * b], idx_v0)
        pltpu.sync_copy(idx_hbm.at[2 * b + 1], idx_v1)
        cp0 = pltpu.async_copy(table_hbm.at[idx_v0], rows_v.at[pl.ds(0, _HALF)], sem)
        cp1 = pltpu.async_copy(table_hbm.at[idx_v1], rows_v.at[pl.ds(_HALF, _HALF)], sem)
        cp0.wait()
        cp1.wait()
        e = [rows_v[0, pl.ds(16 * k, 16)] for k in range(8)]
        lanes = lax.iota(jnp.int32, 16)

        def group(g, c2):
            base = g * 16
            gacc = jnp.zeros((16,), jnp.float32)
            for j in range(16):
                r = base + j
                p = rows_v[r, pl.ds(0, 16)] * e[0]
                for k in range(1, 8):
                    p = p + rows_v[r, pl.ds(16 * k, 16)] * e[k]
                gacc = jnp.where(lanes == j, jnp.sum(p), gacc)
            dots_v[pl.ds(base, 16)] = gacc
            return c2

        lax.fori_loop(0, _R // 16, group, 0)
        pltpu.sync_copy(dots_v, dots_hbm.at[b])
        return carry

    lax.fori_loop(0, _BPW, body, 0)


_sc_dots = functools.partial(
    pl.kernel,
    mesh=plsc.VectorSubcoreMesh(core_axis_name="c", subcore_axis_name="s"),
    compiler_params=pltpu.CompilerParams(needs_layout_passes=False),
    out_type=jax.ShapeDtypeStruct((_B, _RW), jnp.float32),
    scratch_types=[
        pltpu.VMEM((_HALF,), jnp.int32),
        pltpu.VMEM((_HALF,), jnp.int32),
        pltpu.VMEM((_R, _D), jnp.float32),
        pltpu.VMEM((_RW,), jnp.float32),
        pltpu.SemaphoreType.DMA,
    ],
)(_sc_dots_body)


def _logsig_body(dots_ref, out_ref):
    x = dots_ref[...]
    jj = lax.broadcasted_iota(jnp.int32, x.shape, 1)
    sign = jnp.where(jj <= _P, 1.0, -1.0)
    y = x * sign
    ls = jnp.minimum(y, 0.0) - jnp.log1p(jnp.exp(-jnp.abs(y)))
    contrib = jnp.where((jj >= 1) & (jj <= _P + _N), ls, 0.0)
    out_ref[...] = -jnp.sum(contrib, axis=1)


def _logsig_reduce(dots):
    blk = 1024
    return pl.pallas_call(
        _logsig_body,
        grid=(_B // blk,),
        in_specs=[pl.BlockSpec((blk, _RW), lambda i: (i, 0))],
        out_specs=pl.BlockSpec((blk,), lambda i: (i,)),
        out_shape=jax.ShapeDtypeStruct((_B,), jnp.float32),
    )(dots)


def kernel(input_labels, pos_labels, neg_labels, in_embed_weight):
    il = input_labels.astype(jnp.int32)
    pos = pos_labels.astype(jnp.int32)
    neg = neg_labels.astype(jnp.int32)
    idx = jnp.concatenate(
        [il[:, None], pos, neg, jnp.zeros((_B, 3), jnp.int32)], axis=1)
    idx2 = idx.reshape(_B * 2, _HALF)
    dots = _sc_dots(idx2, in_embed_weight)
    return _logsig_reduce(dots)

# --- scband reference (transcript-rebuilt; emitter-appended) ---
"""Pipeline reference for scband-embedding-model-51436528336954 (READ-ONLY COPY).

The authoritative reference and input builder live on the scoring server;
editing this copy changes nothing except your own understanding.
"""

import jax, jax.numpy as jnp
import numpy as np

VOCAB_SIZE = 100000
EMBED_SIZE = 128
BATCH = 16384
POS_LEN = 20
NEG_LEN = 200

def setup_inputs(seed: int = 0) -> dict:
    key = jax.random.key(seed)
    k1, k2, k3, k4 = jax.random.split(key, 4)
    input_labels = jax.random.randint(k1, (BATCH,), 0, VOCAB_SIZE, dtype=jnp.int64 if jax.config.jax_enable_x64 else jnp.int32)
    pos_labels = jax.random.randint(k2, (BATCH, POS_LEN), 0, VOCAB_SIZE, dtype=jnp.int64 if jax.config.jax_enable_x64 else jnp.int32)
    neg_labels = jax.random.randint(k3, (BATCH, NEG_LEN), 0, VOCAB_SIZE, dtype=jnp.int64 if jax.config.jax_enable_x64 else jnp.int32)
    # learned parameter: embedding table (nn.Embedding default init ~ N(0,1))
    in_embed_weight = jax.random.normal(k4, (VOCAB_SIZE, EMBED_SIZE), dtype=jnp.float32)
    return {
        "input_labels": input_labels,
        "pos_labels": pos_labels,
        "neg_labels": neg_labels,
        "in_embed_weight": in_embed_weight,
    }

def reference(input_labels, pos_labels, neg_labels, in_embed_weight):
    # input_embedding: [B, D]
    input_embedding = jnp.take(in_embed_weight, input_labels, axis=0)
    # pos_embedding: [B, P, D]; neg_embedding: [B, Nn, D]
    pos_embedding = jnp.take(in_embed_weight, pos_labels, axis=0)
    neg_embedding = jnp.take(in_embed_weight, neg_labels, axis=0)
    # bmm(pos_embedding, input_embedding.unsqueeze(2)).squeeze(2) -> [B, P]
    pos_dot = jnp.einsum('bpd,bd->bp', pos_embedding, input_embedding)
    # bmm(neg_embedding, -input_embedding.unsqueeze(2)).squeeze(2) -> [B, Nn]
    neg_dot = jnp.einsum('bnd,bd->bn', neg_embedding, -input_embedding)
    log_pos = jax.nn.log_sigmoid(pos_dot).sum(axis=1)
    log_neg = jax.nn.log_sigmoid(neg_dot).sum(axis=1)
    loss = log_pos + log_neg
    return -loss

if __name__ == "__main__":
    import jax
    _d = setup_inputs()
    print(jax.jit(kernel)(*tuple(_d.values())))

</pallas_src>

<mosaic_0001>
#map = affine_map<(d0, d1) -> (0, 0)>
module attributes {stable_mosaic.version = 14 : i64} {
  func.func @_sc_dots_body(%arg0: i32, %arg1: i32, %arg2: memref<32768x112xi32, #tpu.memory_space<hbm>>, %arg3: memref<100000x128xf32, #tpu.memory_space<hbm>>, %arg4: memref<16384x256xf32, #tpu.memory_space<hbm>>, %arg5: memref<112xi32, #tpu.memory_space<vmem>>, %arg6: memref<112xi32, #tpu.memory_space<vmem>>, %arg7: memref<224x128xf32, #tpu.memory_space<vmem>>, %arg8: memref<256xf32, #tpu.memory_space<vmem>>, %arg9: memref<!tpu.dma_semaphore, #tpu.memory_space<semaphore_mem>>) attributes {dimension_semantics = [#tpu.dimension_semantics<core_parallel>, #tpu.dimension_semantics<subcore_parallel>], iteration_bounds = array<i64: 2, 16>, scalar_prefetch = 0 : i64, scratch_operands = 5 : i64, tpu.core_type = #tpu.core_type<sc_vector_subcore>, window_params = [{transform_indices = #map}, {transform_indices = #map}, {transform_indices = #map}]} {
    %mul3A = arith.constant 2 : i32
    %mul3A_0 = arith.muli %arg1, %mul3A : i32
    %add3A = arith.addi %mul3A_0, %arg0 : i32
    %scan3A = arith.constant 0 : i32
    %scan3A_1 = arith.constant 0 : i32
    %scan3A_2 = arith.constant 512 : i32
    %scan3A_3 = arith.addi %scan3A_1, %scan3A_2 : i32
    %scan3A_4 = arith.constant 1 : i32
    scf.for %scan3A_6 = %scan3A_1 to %scan3A_3 step %scan3A_4  : i32 {
      %mul3A_7 = arith.constant 512 : i32
      %mul3A_8 = arith.muli %add3A, %mul3A_7 : i32
      %add3A_9 = arith.addi %mul3A_8, %scan3A_6 : i32
      %mul3A_10 = arith.constant 2 : i32
      %mul3A_11 = arith.muli %mul3A_10, %add3A_9 : i32
      "tpu.region"() ({
        %run_scoped3A = tpu.sem_alloc : memref<!tpu.dma_semaphore, #tpu.memory_space<semaphore_mem>>
        %dma_start3A_75 = arith.constant 0 : i32
        %dma_start3A_76 = tpu.memref_slice %arg2[%mul3A_11, %dma_start3A_75] : memref<32768x112xi32, #tpu.memory_space<hbm>> -> memref<1x112xi32, #tpu.memory_space<hbm>>
        %dma_start3A_77 = tpu.memref_squeeze %dma_start3A_76 : memref<1x112xi32, #tpu.memory_space<hbm>> -> memref<112xi32, #tpu.memory_space<hbm>>
        %dma_start3A_78 = arith.constant 0 : i32
        %dma_start3A_79 = tpu.memref_slice %arg2[%mul3A_11, %dma_start3A_78] : memref<32768x112xi32, #tpu.memory_space<hbm>> -> memref<1x112xi32, #tpu.memory_space<hbm>>
        %dma_start3A_80 = tpu.memref_squeeze %dma_start3A_79 : memref<1x112xi32, #tpu.memory_space<hbm>> -> memref<112xi32, #tpu.memory_space<hbm>>
        tpu.enqueue_dma source(%dma_start3A_80 : memref<112xi32, #tpu.memory_space<hbm>>) target(%arg5 : memref<112xi32, #tpu.memory_space<vmem>>) target_semaphore(%run_scoped3A : memref<!tpu.dma_semaphore, #tpu.memory_space<semaphore_mem>>)
        %dma_wait3A_81 = arith.constant 0 : i32
        %dma_wait3A_82 = tpu.memref_slice %arg2[%mul3A_11, %dma_wait3A_81] : memref<32768x112xi32, #tpu.memory_space<hbm>> -> memref<1x112xi32, #tpu.memory_space<hbm>>
        %dma_wait3A_83 = tpu.memref_squeeze %dma_wait3A_82 : memref<1x112xi32, #tpu.memory_space<hbm>> -> memref<112xi32, #tpu.memory_space<hbm>>
        %dma_wait3A_84 = arith.constant 0 : i32
        %dma_wait3A_85 = tpu.memref_slice %arg2[%mul3A_11, %dma_wait3A_84] : memref<32768x112xi32, #tpu.memory_space<hbm>> -> memref<1x112xi32, #tpu.memory_space<hbm>>
        %dma_wait3A_86 = tpu.memref_squeeze %dma_wait3A_85 : memref<1x112xi32, #tpu.memory_space<hbm>> -> memref<112xi32, #tpu.memory_space<hbm>>
        tpu.wait_dma2 semaphore(%run_scoped3A : memref<!tpu.dma_semaphore, #tpu.memory_space<semaphore_mem>>) src(%dma_wait3A_86 : memref<112xi32, #tpu.memory_space<hbm>>) dst(%arg5 : memref<112xi32, #tpu.memory_space<vmem>>)
        tpu.yield
      }) : () -> ()
      %mul3A_12 = arith.constant 2 : i32
      %mul3A_13 = arith.muli %mul3A_12, %add3A_9 : i32
      %add3A_14 = arith.constant 1 : i32
      %add3A_15 = arith.addi %mul3A_13, %add3A_14 : i32
      "tpu.region"() ({
        %run_scoped3A = tpu.sem_alloc : memref<!tpu.dma_semaphore, #tpu.memory_space<semaphore_mem>>
        %dma_start3A_75 = arith.constant 0 : i32
        %dma_start3A_76 = tpu.memref_slice %arg2[%add3A_15, %dma_start3A_75] : memref<32768x112xi32, #tpu.memory_space<hbm>> -> memref<1x112xi32, #tpu.memory_space<hbm>>
        %dma_start3A_77 = tpu.memref_squeeze %dma_start3A_76 : memref<1x112xi32, #tpu.memory_space<hbm>> -> memref<112xi32, #tpu.memory_space<hbm>>
        %dma_start3A_78 = arith.constant 0 : i32
        %dma_start3A_79 = tpu.memref_slice %arg2[%add3A_15, %dma_start3A_78] : memref<32768x112xi32, #tpu.memory_space<hbm>> -> memref<1x112xi32, #tpu.memory_space<hbm>>
        %dma_start3A_80 = tpu.memref_squeeze %dma_start3A_79 : memref<1x112xi32, #tpu.memory_space<hbm>> -> memref<112xi32, #tpu.memory_space<hbm>>
        tpu.enqueue_dma source(%dma_start3A_80 : memref<112xi32, #tpu.memory_space<hbm>>) target(%arg6 : memref<112xi32, #tpu.memory_space<vmem>>) target_semaphore(%run_scoped3A : memref<!tpu.dma_semaphore, #tpu.memory_space<semaphore_mem>>)
        %dma_wait3A_81 = arith.constant 0 : i32
        %dma_wait3A_82 = tpu.memref_slice %arg2[%add3A_15, %dma_wait3A_81] : memref<32768x112xi32, #tpu.memory_space<hbm>> -> memref<1x112xi32, #tpu.memory_space<hbm>>
        %dma_wait3A_83 = tpu.memref_squeeze %dma_wait3A_82 : memref<1x112xi32, #tpu.memory_space<hbm>> -> memref<112xi32, #tpu.memory_space<hbm>>
        %dma_wait3A_84 = arith.constant 0 : i32
        %dma_wait3A_85 = tpu.memref_slice %arg2[%add3A_15, %dma_wait3A_84] : memref<32768x112xi32, #tpu.memory_space<hbm>> -> memref<1x112xi32, #tpu.memory_space<hbm>>
        %dma_wait3A_86 = tpu.memref_squeeze %dma_wait3A_85 : memref<1x112xi32, #tpu.memory_space<hbm>> -> memref<112xi32, #tpu.memory_space<hbm>>
        tpu.wait_dma2 semaphore(%run_scoped3A : memref<!tpu.dma_semaphore, #tpu.memory_space<semaphore_mem>>) src(%dma_wait3A_86 : memref<112xi32, #tpu.memory_space<hbm>>) dst(%arg6 : memref<112xi32, #tpu.memory_space<vmem>>)
        tpu.yield
      }) : () -> ()
      %dma_start3A = arith.constant 0 : i32
      %dma_start3A_16 = arith.constant 0 : i32
      %dma_start3A_17 = tpu.memref_slice %arg7[%dma_start3A, %dma_start3A_16] : memref<224x128xf32, #tpu.memory_space<vmem>> -> memref<112x128xf32, #tpu.memory_space<vmem>>
      %dma_start3A_18 = arith.constant 0 : i32
      %dma_start3A_19 = arith.constant 0 : i32
      %dma_start3A_20 = tpu.memref_slice %arg3[%dma_start3A_18, %dma_start3A_19] : memref<100000x128xf32, #tpu.memory_space<hbm>> -> memref<100000x128xf32, #tpu.memory_space<hbm>>
      tpu.enqueue_indirect_dma source(%dma_start3A_20 : memref<100000x128xf32, #tpu.memory_space<hbm>>) target(%dma_start3A_17 : memref<112x128xf32, #tpu.memory_space<vmem>>) offsets(%arg5 : memref<112xi32, #tpu.memory_space<vmem>>) semaphore(%arg9 : memref<!tpu.dma_semaphore, #tpu.memory_space<semaphore_mem>>)
      %dma_start3A_21 = arith.constant 112 : i32
      %dma_start3A_22 = arith.constant 0 : i32
      %dma_start3A_23 = tpu.memref_slice %arg7[%dma_start3A_21, %dma_start3A_22] : memref<224x128xf32, #tpu.memory_space<vmem>> -> memref<112x128xf32, #tpu.memory_space<vmem>>
      %dma_start3A_24 = arith.constant 0 : i32
      %dma_start3A_25 = arith.constant 0 : i32
      %dma_start3A_26 = tpu.memref_slice %arg3[%dma_start3A_24, %dma_start3A_25] : memref<100000x128xf32, #tpu.memory_space<hbm>> -> memref<100000x128xf32, #tpu.memory_space<hbm>>
      tpu.enqueue_indirect_dma source(%dma_start3A_26 : memref<100000x128xf32, #tpu.memory_space<hbm>>) target(%dma_start3A_23 : memref<112x128xf32, #tpu.memory_space<vmem>>) offsets(%arg6 : memref<112xi32, #tpu.memory_space<vmem>>) semaphore(%arg9 : memref<!tpu.dma_semaphore, #tpu.memory_space<semaphore_mem>>)
      %dma_wait3A = arith.constant 0 : i32
      %dma_wait3A_27 = arith.constant 0 : i32
      %dma_wait3A_28 = tpu.memref_slice %arg7[%dma_wait3A, %dma_wait3A_27] : memref<224x128xf32, #tpu.memory_space<vmem>> -> memref<112x128xf32, #tpu.memory_space<vmem>>
      %dma_wait3A_29 = arith.constant 0 : i32
      %dma_wait3A_30 = arith.constant 0 : i32
      %dma_wait3A_31 = tpu.memref_slice %arg3[%dma_wait3A_29, %dma_wait3A_30] : memref<100000x128xf32, #tpu.memory_space<hbm>> -> memref<100000x128xf32, #tpu.memory_space<hbm>>
      tpu.wait_indirect_dma semaphore(%arg9 : memref<!tpu.dma_semaphore, #tpu.memory_space<semaphore_mem>>) src(%dma_wait3A_31 : memref<100000x128xf32, #tpu.memory_space<hbm>>) dst(%dma_wait3A_28 : memref<112x128xf32, #tpu.memory_space<vmem>>)
      %dma_wait3A_32 = arith.constant 112 : i32
      %dma_wait3A_33 = arith.constant 0 : i32
      %dma_wait3A_34 = tpu.memref_slice %arg7[%dma_wait3A_32, %dma_wait3A_33] : memref<224x128xf32, #tpu.memory_space<vmem>> -> memref<112x128xf32, #tpu.memory_space<vmem>>
      %dma_wait3A_35 = arith.constant 0 : i32
      %dma_wait3A_36 = arith.constant 0 : i32
      %dma_wait3A_37 = tpu.memref_slice %arg3[%dma_wait3A_35, %dma_wait3A_36] : memref<100000x128xf32, #tpu.memory_space<hbm>> -> memref<100000x128xf32, #tpu.memory_space<hbm>>
      tpu.wait_indirect_dma semaphore(%arg9 : memref<!tpu.dma_semaphore, #tpu.memory_space<semaphore_mem>>) src(%dma_wait3A_37 : memref<100000x128xf32, #tpu.memory_space<hbm>>) dst(%dma_wait3A_34 : memref<112x128xf32, #tpu.memory_space<vmem>>)
      %get3A = arith.constant 0 : i32
      %get3A_38 = arith.index_cast %get3A : i32 to index
      %get3A_39 = arith.constant 0 : index
      %get3A_40 = tpu.vector_load %arg7[%get3A_38, %get3A_39] {strides = array<i32>} : memref<224x128xf32, #tpu.memory_space<vmem>>, vector<16xf32>,
      %get3A_41 = arith.constant 0 : i32
      %get3A_42 = arith.index_cast %get3A_41 : i32 to index
      %get3A_43 = arith.constant 16 : index
      %get3A_44 = tpu.vector_load %arg7[%get3A_42, %get3A_43] {strides = array<i32>} : memref<224x128xf32, #tpu.memory_space<vmem>>, vector<16xf32>,
      %get3A_45 = arith.constant 0 : i32
      %get3A_46 = arith.index_cast %get3A_45 : i32 to index
      %get3A_47 = arith.constant 32 : index
      %get3A_48 = tpu.vector_load %arg7[%get3A_46, %get3A_47] {strides = array<i32>} : memref<224x128xf32, #tpu.memory_space<vmem>>, vector<16xf32>,
      %get3A_49 = arith.constant 0 : i32
      %get3A_50 = arith.index_cast %get3A_49 : i32 to index
      %get3A_51 = arith.constant 48 : index
      %get3A_52 = tpu.vector_load %arg7[%get3A_50, %get3A_51] {strides = array<i32>} : memref<224x128xf32, #tpu.memory_space<vmem>>, vector<16xf32>,
      %get3A_53 = arith.constant 0 : i32
      %get3A_54 = arith.index_cast %get3A_53 : i32 to index
      %get3A_55 = arith.constant 64 : index
      %get3A_56 = tpu.vector_load %arg7[%get3A_54, %get3A_55] {strides = array<i32>} : memref<224x128xf32, #tpu.memory_space<vmem>>, vector<16xf32>,
      %get3A_57 = arith.constant 0 : i32
      %get3A_58 = arith.index_cast %get3A_57 : i32 to index
      %get3A_59 = arith.constant 80 : index
      %get3A_60 = tpu.vector_load %arg7[%get3A_58, %get3A_59] {strides = array<i32>} : memref<224x128xf32, #tpu.memory_space<vmem>>, vector<16xf32>,
      %get3A_61 = arith.constant 0 : i32
      %get3A_62 = arith.index_cast %get3A_61 : i32 to index
      %get3A_63 = arith.constant 96 : index
      %get3A_64 = tpu.vector_load %arg7[%get3A_62, %get3A_63] {strides = array<i32>} : memref<224x128xf32, #tpu.memory_space<vmem>>, vector<16xf32>,
      %get3A_65 = arith.constant 0 : i32
      %get3A_66 = arith.index_cast %get3A_65 : i32 to index
      %get3A_67 = arith.constant 112 : index
      %get3A_68 = tpu.vector_load %arg7[%get3A_66, %get3A_67] {strides = array<i32>} : memref<224x128xf32, #tpu.memory_space<vmem>>, vector<16xf32>,
      %iota3A = tpu.iota {dimensions = array<i32: 0>} : vector<16xi32>
      %scan3A_69 = arith.constant 0 : i32
      %scan3A_70 = arith.constant 0 : i32
      %scan3A_71 = arith.constant 14 : i32
      %scan3A_72 = arith.addi %scan3A_70, %scan3A_71 : i32
      %scan3A_73 = arith.constant 1 : i32
      scf.for %scan3A_75 = %scan3A_70 to %scan3A_72 step %scan3A_73  : i32 {
        %mul3A_76 = arith.constant 16 : i32
        %mul3A_77 = arith.muli %scan3A_75, %mul3A_76 : i32
        %broadcast_in_dim3A = arith.constant 0.000000e+00 : f32
        %broadcast_in_dim3A_78 = vector.broadcast %broadcast_in_dim3A : f32 to vector<16xf32>
        %add3A_79 = arith.constant 0 : i32
        %add3A_80 = arith.addi %mul3A_77, %add3A_79 : i32
        %get3A_81 = arith.index_cast %add3A_80 : i32 to index
        %get3A_82 = arith.constant 0 : index
        %get3A_83 = tpu.vector_load %arg7[%get3A_81, %get3A_82] {strides = array<i32>} : memref<224x128xf32, #tpu.memory_space<vmem>>, vector<16xf32>,
        %mul3A_84 = arith.mulf %get3A_83, %get3A_40 : vector<16xf32>
        %get3A_85 = arith.index_cast %add3A_80 : i32 to index
        %get3A_86 = arith.constant 16 : index
        %get3A_87 = tpu.vector_load %arg7[%get3A_85, %get3A_86] {strides = array<i32>} : memref<224x128xf32, #tpu.memory_space<vmem>>, vector<16xf32>,
        %mul3A_88 = arith.mulf %get3A_87, %get3A_44 : vector<16xf32>
        %add3A_89 = arith.addf %mul3A_84, %mul3A_88 : vector<16xf32>
        %get3A_90 = arith.index_cast %add3A_80 : i32 to index
        %get3A_91 = arith.constant 32 : index
        %get3A_92 = tpu.vector_load %arg7[%get3A_90, %get3A_91] {strides = array<i32>} : memref<224x128xf32, #tpu.memory_space<vmem>>, vector<16xf32>,
        %mul3A_93 = arith.mulf %get3A_92, %get3A_48 : vector<16xf32>
        %add3A_94 = arith.addf %add3A_89, %mul3A_93 : vector<16xf32>
        %get3A_95 = arith.index_cast %add3A_80 : i32 to index
        %get3A_96 = arith.constant 48 : index
        %get3A_97 = tpu.vector_load %arg7[%get3A_95, %get3A_96] {strides = array<i32>} : memref<224x128xf32, #tpu.memory_space<vmem>>, vector<16xf32>,
        %mul3A_98 = arith.mulf %get3A_97, %get3A_52 : vector<16xf32>
        %add3A_99 = arith.addf %add3A_94, %mul3A_98 : vector<16xf32>
        %get3A_100 = arith.index_cast %add3A_80 : i32 to index
        %get3A_101 = arith.constant 64 : index
        %get3A_102 = tpu.vector_load %arg7[%get3A_100, %get3A_101] {strides = array<i32>} : memref<224x128xf32, #tpu.memory_space<vmem>>, vector<16xf32>,
        %mul3A_103 = arith.mulf %get3A_102, %get3A_56 : vector<16xf32>
        %add3A_104 = arith.addf %add3A_99, %mul3A_103 : vector<16xf32>
        %get3A_105 = arith.index_cast %add3A_80 : i32 to index
        %get3A_106 = arith.constant 80 : index
        %get3A_107 = tpu.vector_load %arg7[%get3A_105, %get3A_106] {strides = array<i32>} : memref<224x128xf32, #tpu.memory_space<vmem>>, vector<16xf32>,
        %mul3A_108 = arith.mulf %get3A_107, %get3A_60 : vector<16xf32>
        %add3A_109 = arith.addf %add3A_104, %mul3A_108 : vector<16xf32>
        %get3A_110 = arith.index_cast %add3A_80 : i32 to index
        %get3A_111 = arith.constant 96 : index
        %get3A_112 = tpu.vector_load %arg7[%get3A_110, %get3A_111] {strides = array<i32>} : memref<224x128xf32, #tpu.memory_space<vmem>>, vector<16xf32>,
        %mul3A_113 = arith.mulf %get3A_112, %get3A_64 : vector<16xf32>
        %add3A_114 = arith.addf %add3A_109, %mul3A_113 : vector<16xf32>
        %get3A_115 = arith.index_cast %add3A_80 : i32 to index
        %get3A_116 = arith.constant 112 : index
        %get3A_117 = tpu.vector_load %arg7[%get3A_115, %get3A_116] {strides = array<i32>} : memref<224x128xf32, #tpu.memory_space<vmem>>, vector<16xf32>,
        %mul3A_118 = arith.mulf %get3A_117, %get3A_68 : vector<16xf32>
        %add3A_119 = arith.addf %add3A_114, %mul3A_118 : vector<16xf32>
        %eq3A = arith.constant 0 : i32
        %eq3A_120 = vector.broadcast %eq3A : i32 to vector<16xi32>
        %eq3A_121 = arith.cmpi eq, %iota3A, %eq3A_120 : vector<16xi32>
        %reduce_sum3A = arith.constant true
        %reduce_sum3A_122 = vector.broadcast %reduce_sum3A : i1 to vector<16xi1>
        %reduce_sum3A_123 = tpu.scan <sum>, %add3A_119 masked %reduce_sum3A_122 : vector<16xf32>, vector<16xi1> -> vector<16xf32>
        %reduce_sum3A_124 = vector.extract %reduce_sum3A_123[15] : f32 from vector<16xf32>
        %broadcast_in_dim3A_125 = vector.broadcast %reduce_sum3A_124 : f32 to vector<16xf32>
        %select_n3A = arith.select %eq3A_121, %broadcast_in_dim3A_125, %broadcast_in_dim3A_78 : vector<16xi1>, vector<16xf32>
        %add3A_126 = arith.constant 1 : i32
        %add3A_127 = arith.addi %mul3A_77, %add3A_126 : i32
        %get3A_128 = arith.index_cast %add3A_127 : i32 to index
        %get3A_129 = arith.constant 0 : index
        %get3A_130 = tpu.vector_load %arg7[%get3A_128, %get3A_129] {strides = array<i32>} : memref<224x128xf32, #tpu.memory_space<vmem>>, vector<16xf32>,
        %mul3A_131 = arith.mulf %get3A_130, %get3A_40 : vector<16xf32>
        %get3A_132 = arith.index_cast %add3A_127 : i32 to index
        %get3A_133 = arith.constant 16 : index
        %get3A_134 = tpu.vector_load %arg7[%get3A_132, %get3A_133] {strides = array<i32>} : memref<224x128xf32, #tpu.memory_space<vmem>>, vector<16xf32>,
        %mul3A_135 = arith.mulf %get3A_134, %get3A_44 : vector<16xf32>
        %add3A_136 = arith.addf %mul3A_131, %mul3A_135 : vector<16xf32>
        %get3A_137 = arith.index_cast %add3A_127 : i32 to index
        %get3A_138 = arith.constant 32 : index
        %get3A_139 = tpu.vector_load %arg7[%get3A_137, %get3A_138] {strides = array<i32>} : memref<224x128xf32, #tpu.memory_space<vmem>>, vector<16xf32>,
        %mul3A_140 = arith.mulf %get3A_139, %get3A_48 : vector<16xf32>
        %add3A_141 = arith.addf %add3A_136, %mul3A_140 : vector<16xf32>
        %get3A_142 = arith.index_cast %add3A_127 : i32 to index
        %get3A_143 = arith.constant 48 : index
        %get3A_144 = tpu.vector_load %arg7[%get3A_142, %get3A_143] {strides = array<i32>} : memref<224x128xf32, #tpu.memory_space<vmem>>, vector<16xf32>,
        %mul3A_145 = arith.mulf %get3A_144, %get3A_52 : vector<16xf32>
        %add3A_146 = arith.addf %add3A_141, %mul3A_145 : vector<16xf32>
        %get3A_147 = arith.index_cast %add3A_127 : i32 to index
        %get3A_148 = arith.constant 64 : index
        %get3A_149 = tpu.vector_load %arg7[%get3A_147, %get3A_148] {strides = array<i32>} : memref<224x128xf32, #tpu.memory_space<vmem>>, vector<16xf32>,
        %mul3A_150 = arith.mulf %get3A_149, %get3A_56 : vector<16xf32>
        %add3A_151 = arith.addf %add3A_146, %mul3A_150 : vector<16xf32>
        %get3A_152 = arith.index_cast %add3A_127 : i32 to index
        %get3A_153 = arith.constant 80 : index
        %get3A_154 = tpu.vector_load %arg7[%get3A_152, %get3A_153] {strides = array<i32>} : memref<224x128xf32, #tpu.memory_space<vmem>>, vector<16xf32>,
        %mul3A_155 = arith.mulf %get3A_154, %get3A_60 : vector<16xf32>
        %add3A_156 = arith.addf %add3A_151, %mul3A_155 : vector<16xf32>
        %get3A_157 = arith.index_cast %add3A_127 : i32 to index
        %get3A_158 = arith.constant 96 : index
        %get3A_159 = tpu.vector_load %arg7[%get3A_157, %get3A_158] {strides = array<i32>} : memref<224x128xf32, #tpu.memory_space<vmem>>, vector<16xf32>,
        %mul3A_160 = arith.mulf %get3A_159, %get3A_64 : vector<16xf32>
        %add3A_161 = arith.addf %add3A_156, %mul3A_160 : vector<16xf32>
        %get3A_162 = arith.index_cast %add3A_127 : i32 to index
        %get3A_163 = arith.constant 112 : index
        %get3A_164 = tpu.vector_load %arg7[%get3A_162, %get3A_163] {strides = array<i32>} : memref<224x128xf32, #tpu.memory_space<vmem>>, vector<16xf32>,
        %mul3A_165 = arith.mulf %get3A_164, %get3A_68 : vector<16xf32>
        %add3A_166 = arith.addf %add3A_161, %mul3A_165 : vector<16xf32>
        %eq3A_167 = arith.constant 1 : i32
        %eq3A_168 = vector.broadcast %eq3A_167 : i32 to vector<16xi32>
        %eq3A_169 = arith.cmpi eq, %iota3A, %eq3A_168 : vector<16xi32>
        %reduce_sum3A_170 = arith.constant true
        %reduce_sum3A_171 = vector.broadcast %reduce_sum3A_170 : i1 to vector<16xi1>
        %reduce_sum3A_172 = tpu.scan <sum>, %add3A_166 masked %reduce_sum3A_171 : vector<16xf32>, vector<16xi1> -> vector<16xf32>
        %reduce_sum3A_173 = vector.extract %reduce_sum3A_172[15] : f32 from vector<16xf32>
        %broadcast_in_dim3A_174 = vector.broadcast %reduce_sum3A_173 : f32 to vector<16xf32>
        %select_n3A_175 = arith.select %eq3A_169, %broadcast_in_dim3A_174, %select_n3A : vector<16xi1>, vector<16xf32>
        %add3A_176 = arith.constant 2 : i32
        %add3A_177 = arith.addi %mul3A_77, %add3A_176 : i32
        %get3A_178 = arith.index_cast %add3A_177 : i32 to index
        %get3A_179 = arith.constant 0 : index
        %get3A_180 = tpu.vector_load %arg7[%get3A_178, %get3A_179] {strides = array<i32>} : memref<224x128xf32, #tpu.memory_space<vmem>>, vector<16xf32>,
        %mul3A_181 = arith.mulf %get3A_180, %get3A_40 : vector<16xf32>
        %get3A_182 = arith.index_cast %add3A_177 : i32 to index
        %get3A_183 = arith.constant 16 : index
        %get3A_184 = tpu.vector_load %arg7[%get3A_182, %get3A_183] {strides = array<i32>} : memref<224x128xf32, #tpu.memory_space<vmem>>, vector<16xf32>,
        %mul3A_185 = arith.mulf %get3A_184, %get3A_44 : vector<16xf32>
        %add3A_186 = arith.addf %mul3A_181, %mul3A_185 : vector<16xf32>
        %get3A_187 = arith.index_cast %add3A_177 : i32 to index
        %get3A_188 = arith.constant 32 : index
        %get3A_189 = tpu.vector_load %arg7[%get3A_187, %get3A_188] {strides = array<i32>} : memref<224x128xf32, #tpu.memory_space<vmem>>, vector<16xf32>,
        %mul3A_190 = arith.mulf %get3A_189, %get3A_48 : vector<16xf32>
        %add3A_191 = arith.addf %add3A_186, %mul3A_190 : vector<16xf32>
        %get3A_192 = arith.index_cast %add3A_177 : i32 to index
        %get3A_193 = arith.constant 48 : index
        %get3A_194 = tpu.vector_load %arg7[%get3A_192, %get3A_193] {strides = array<i32>} : memref<224x128xf32, #tpu.memory_space<vmem>>, vector<16xf32>,
        %mul3A_195 = arith.mulf %get3A_194, %get3A_52 : vector<16xf32>
        %add3A_196 = arith.addf %add3A_191, %mul3A_195 : vector<16xf32>
        %get3A_197 = arith.index_cast %add3A_177 : i32 to index
        %get3A_198 = arith.constant 64 : index
        %get3A_199 = tpu.vector_load %arg7[%get3A_197, %get3A_198] {strides = array<i32>} : memref<224x128xf32, #tpu.memory_space<vmem>>, vector<16xf32>,
        %mul3A_200 = arith.mulf %get3A_199, %get3A_56 : vector<16xf32>
        %add3A_201 = arith.addf %add3A_196, %mul3A_200 : vector<16xf32>
        %get3A_202 = arith.index_cast %add3A_177 : i32 to index
        %get3A_203 = arith.constant 80 : index
        %get3A_204 = tpu.vector_load %arg7[%get3A_202, %get3A_203] {strides = array<i32>} : memref<224x128xf32, #tpu.memory_space<vmem>>, vector<16xf32>,
        %mul3A_205 = arith.mulf %get3A_204, %get3A_60 : vector<16xf32>
        %add3A_206 = arith.addf %add3A_201, %mul3A_205 : vector<16xf32>
        %get3A_207 = arith.index_cast %add3A_177 : i32 to index
        %get3A_208 = arith.constant 96 : index
        %get3A_209 = tpu.vector_load %arg7[%get3A_207, %get3A_208] {strides = array<i32>} : memref<224x128xf32, #tpu.memory_space<vmem>>, vector<16xf32>,
        %mul3A_210 = arith.mulf %get3A_209, %get3A_64 : vector<16xf32>
        %add3A_211 = arith.addf %add3A_206, %mul3A_210 : vector<16xf32>
        %get3A_212 = arith.index_cast %add3A_177 : i32 to index
        %get3A_213 = arith.constant 112 : index
        %get3A_214 = tpu.vector_load %arg7[%get3A_212, %get3A_213] {strides = array<i32>} : memref<224x128xf32, #tpu.memory_space<vmem>>, vector<16xf32>,
        %mul3A_215 = arith.mulf %get3A_214, %get3A_68 : vector<16xf32>
        %add3A_216 = arith.addf %add3A_211, %mul3A_215 : vector<16xf32>
        %eq3A_217 = arith.constant 2 : i32
        %eq3A_218 = vector.broadcast %eq3A_217 : i32 to vector<16xi32>
        %eq3A_219 = arith.cmpi eq, %iota3A, %eq3A_218 : vector<16xi32>
        %reduce_sum3A_220 = arith.constant true
        %reduce_sum3A_221 = vector.broadcast %reduce_sum3A_220 : i1 to vector<16xi1>
        %reduce_sum3A_222 = tpu.scan <sum>, %add3A_216 masked %reduce_sum3A_221 : vector<16xf32>, vector<16xi1> -> vector<16xf32>
        %reduce_sum3A_223 = vector.extract %reduce_sum3A_222[15] : f32 from vector<16xf32>
        %broadcast_in_dim3A_224 = vector.broadcast %reduce_sum3A_223 : f32 to vector<16xf32>
        %select_n3A_225 = arith.select %eq3A_219, %broadcast_in_dim3A_224, %select_n3A_175 : vector<16xi1>, vector<16xf32>
        %add3A_226 = arith.constant 3 : i32
        %add3A_227 = arith.addi %mul3A_77, %add3A_226 : i32
        %get3A_228 = arith.index_cast %add3A_227 : i32 to index
        %get3A_229 = arith.constant 0 : index
        %get3A_230 = tpu.vector_load %arg7[%get3A_228, %get3A_229] {strides = array<i32>} : memref<224x128xf32, #tpu.memory_space<vmem>>, vector<16xf32>,
        %mul3A_231 = arith.mulf %get3A_230, %get3A_40 : vector<16xf32>
        %get3A_232 = arith.index_cast %add3A_227 : i32 to index
        %get3A_233 = arith.constant 16 : index
        %get3A_234 = tpu.vector_load %arg7[%get3A_232, %get3A_233] {strides = array<i32>} : memref<224x128xf32, #tpu.memory_space<vmem>>, vector<16xf32>,
        %mul3A_235 = arith.mulf %get3A_234, %get3A_44 : vector<16xf32>
        %add3A_236 = arith.addf %mul3A_231, %mul3A_235 : vector<16xf32>
        %get3A_237 = arith.index_cast %add3A_227 : i32 to index
        %get3A_238 = arith.constant 32 : index
        %get3A_239 = tpu.vector_load %arg7[%get3A_237, %get3A_238] {strides = array<i32>} : memref<224x128xf32, #tpu.memory_space<vmem>>, vector<16xf32>,
        %mul3A_240 = arith.mulf %get3A_239, %get3A_48 : vector<16xf32>
        %add3A_241 = arith.addf %add3A_236, %mul3A_240 : vector<16xf32>
        %get3A_242 = arith.index_cast %add3A_227 : i32 to index
        %get3A_243 = arith.constant 48 : index
        %get3A_244 = tpu.vector_load %arg7[%get3A_242, %get3A_243] {strides = array<i32>} : memref<224x128xf32, #tpu.memory_space<vmem>>, vector<16xf32>,
        %mul3A_245 = arith.mulf %get3A_244, %get3A_52 : vector<16xf32>
        %add3A_246 = arith.addf %add3A_241, %mul3A_245 : vector<16xf32>
        %get3A_247 = arith.index_cast %add3A_227 : i32 to index
        %get3A_248 = arith.constant 64 : index
        %get3A_249 = tpu.vector_load %arg7[%get3A_247, %get3A_248] {strides = array<i32>} : memref<224x128xf32, #tpu.memory_space<vmem>>, vector<16xf32>,
        %mul3A_250 = arith.mulf %get3A_249, %get3A_56 : vector<16xf32>
        %add3A_251 = arith.addf %add3A_246, %mul3A_250 : vector<16xf32>
        %get3A_252 = arith.index_cast %add3A_227 : i32 to index
        %get3A_253 = arith.constant 80 : index
        %get3A_254 = tpu.vector_load %arg7[%get3A_252, %get3A_253] {strides = array<i32>} : memref<224x128xf32, #tpu.memory_space<vmem>>, vector<16xf32>,
        %mul3A_255 = arith.mulf %get3A_254, %get3A_60 : vector<16xf32>
        %add3A_256 = arith.addf %add3A_251, %mul3A_255 : vector<16xf32>
        %get3A_257 = arith.index_cast %add3A_227 : i32 to index
        %get3A_258 = arith.constant 96 : index
        %get3A_259 = tpu.vector_load %arg7[%get3A_257, %get3A_258] {strides = array<i32>} : memref<224x128xf32, #tpu.memory_space<vmem>>, vector<16xf32>,
        %mul3A_260 = arith.mulf %get3A_259, %get3A_64 : vector<16xf32>
        %add3A_261 = arith.addf %add3A_256, %mul3A_260 : vector<16xf32>
        %get3A_262 = arith.index_cast %add3A_227 : i32 to index
        %get3A_263 = arith.constant 112 : index
        %get3A_264 = tpu.vector_load %arg7[%get3A_262, %get3A_263] {strides = array<i32>} : memref<224x128xf32, #tpu.memory_space<vmem>>, vector<16xf32>,
        %mul3A_265 = arith.mulf %get3A_264, %get3A_68 : vector<16xf32>
        %add3A_266 = arith.addf %add3A_261, %mul3A_265 : vector<16xf32>
        %eq3A_267 = arith.constant 3 : i32
        %eq3A_268 = vector.broadcast %eq3A_267 : i32 to vector<16xi32>
        %eq3A_269 = arith.cmpi eq, %iota3A, %eq3A_268 : vector<16xi32>
        %reduce_sum3A_270 = arith.constant true
        %reduce_sum3A_271 = vector.broadcast %reduce_sum3A_270 : i1 to vector<16xi1>
        %reduce_sum3A_272 = tpu.scan <sum>, %add3A_266 masked %reduce_sum3A_271 : vector<16xf32>, vector<16xi1> -> vector<16xf32>
        %reduce_sum3A_273 = vector.extract %reduce_sum3A_272[15] : f32 from vector<16xf32>
        %broadcast_in_dim3A_274 = vector.broadcast %reduce_sum3A_273 : f32 to vector<16xf32>
        %select_n3A_275 = arith.select %eq3A_269, %broadcast_in_dim3A_274, %select_n3A_225 : vector<16xi1>, vector<16xf32>
        %add3A_276 = arith.constant 4 : i32
        %add3A_277 = arith.addi %mul3A_77, %add3A_276 : i32
        %get3A_278 = arith.index_cast %add3A_277 : i32 to index
        %get3A_279 = arith.constant 0 : index
        %get3A_280 = tpu.vector_load %arg7[%get3A_278, %get3A_279] {strides = array<i32>} : memref<224x128xf32, #tpu.memory_space<vmem>>, vector<16xf32>,
        %mul3A_281 = arith.mulf %get3A_280, %get3A_40 : vector<16xf32>
        %get3A_282 = arith.index_cast %add3A_277 : i32 to index
        %get3A_283 = arith.constant 16 : index
        %get3A_284 = tpu.vector_load %arg7[%get3A_282, %get3A_283] {strides = array<i32>} : memref<224x128xf32, #tpu.memory_space<vmem>>, vector<16xf32>,
        %mul3A_285 = arith.mulf %get3A_284, %get3A_44 : vector<16xf32>
        %add3A_286 = arith.addf %mul3A_281, %mul3A_285 : vector<16xf32>
        %get3A_287 = arith.index_cast %add3A_277 : i32 to index
        %get3A_288 = arith.constant 32 : index
        %get3A_289 = tpu.vector_load %arg7[%get3A_287, %get3A_288] {strides = array<i32>} : memref<224x128xf32, #tpu.memory_space<vmem>>, vector<16xf32>,
        %mul3A_290 = arith.mulf %get3A_289, %get3A_48 : vector<16xf32>
        %add3A_291 = arith.addf %add3A_286, %mul3A_290 : vector<16xf32>
        %get3A_292 = arith.index_cast %add3A_277 : i32 to index
        %get3A_293 = arith.constant 48 : index
        %get3A_294 = tpu.vector_load %arg7[%get3A_292, %get3A_293] {strides = array<i32>} : memref<224x128xf32, #tpu.memory_space<vmem>>, vector<16xf32>,
        %mul3A_295 = arith.mulf %get3A_294, %get3A_52 : vector<16xf32>
        %add3A_296 = arith.addf %add3A_291, %mul3A_295 : vector<16xf32>
        %get3A_297 = arith.index_cast %add3A_277 : i32 to index
        %get3A_298 = arith.constant 64 : index
        %get3A_299 = tpu.vector_load %arg7[%get3A_297, %get3A_298] {strides = array<i32>} : memref<224x128xf32, #tpu.memory_space<vmem>>, vector<16xf32>,
        %mul3A_300 = arith.mulf %get3A_299, %get3A_56 : vector<16xf32>
        %add3A_301 = arith.addf %add3A_296, %mul3A_300 : vector<16xf32>
        %get3A_302 = arith.index_cast %add3A_277 : i32 to index
        %get3A_303 = arith.constant 80 : index
        %get3A_304 = tpu.vector_load %arg7[%get3A_302, %get3A_303] {strides = array<i32>} : memref<224x128xf32, #tpu.memory_space<vmem>>, vector<16xf32>,
        %mul3A_305 = arith.mulf %get3A_304, %get3A_60 : vector<16xf32>
        %add3A_306 = arith.addf %add3A_301, %mul3A_305 : vector<16xf32>
        %get3A_307 = arith.index_cast %add3A_277 : i32 to index
        %get3A_308 = arith.constant 96 : index
        %get3A_309 = tpu.vector_load %arg7[%get3A_307, %get3A_308] {strides = array<i32>} : memref<224x128xf32, #tpu.memory_space<vmem>>, vector<16xf32>,
        %mul3A_310 = arith.mulf %get3A_309, %get3A_64 : vector<16xf32>
        %add3A_311 = arith.addf %add3A_306, %mul3A_310 : vector<16xf32>
        %get3A_312 = arith.index_cast %add3A_277 : i32 to index
        %get3A_313 = arith.constant 112 : index
        %get3A_314 = tpu.vector_load %arg7[%get3A_312, %get3A_313] {strides = array<i32>} : memref<224x128xf32, #tpu.memory_space<vmem>>, vector<16xf32>,
        %mul3A_315 = arith.mulf %get3A_314, %get3A_68 : vector<16xf32>
        %add3A_316 = arith.addf %add3A_311, %mul3A_315 : vector<16xf32>
        %eq3A_317 = arith.constant 4 : i32
        %eq3A_318 = vector.broadcast %eq3A_317 : i32 to vector<16xi32>
        %eq3A_319 = arith.cmpi eq, %iota3A, %eq3A_318 : vector<16xi32>
        %reduce_sum3A_320 = arith.constant true
        %reduce_sum3A_321 = vector.broadcast %reduce_sum3A_320 : i1 to vector<16xi1>
        %reduce_sum3A_322 = tpu.scan <sum>, %add3A_316 masked %reduce_sum3A_321 : vector<16xf32>, vector<16xi1> -> vector<16xf32>
        %reduce_sum3A_323 = vector.extract %reduce_sum3A_322[15] : f32 from vector<16xf32>
        %broadcast_in_dim3A_324 = vector.broadcast %reduce_sum3A_323 : f32 to vector<16xf32>
        %select_n3A_325 = arith.select %eq3A_319, %broadcast_in_dim3A_324, %select_n3A_275 : vector<16xi1>, vector<16xf32>
        %add3A_326 = arith.constant 5 : i32
        %add3A_327 = arith.addi %mul3A_77, %add3A_326 : i32
        %get3A_328 = arith.index_cast %add3A_327 : i32 to index
        %get3A_329 = arith.constant 0 : index
        %get3A_330 = tpu.vector_load %arg7[%get3A_328, %get3A_329] {strides = array<i32>} : memref<224x128xf32, #tpu.memory_space<vmem>>, vector<16xf32>,
        %mul3A_331 = arith.mulf %get3A_330, %get3A_40 : vector<16xf32>
        %get3A_332 = arith.index_cast %add3A_327 : i32 to index
        %get3A_333 = arith.constant 16 : index
        %get3A_334 = tpu.vector_load %arg7[%get3A_332, %get3A_333] {strides = array<i32>} : memref<224x128xf32, #tpu.memory_space<vmem>>, vector<16xf32>,
        %mul3A_335 = arith.mulf %get3A_334, %get3A_44 : vector<16xf32>
        %add3A_336 = arith.addf %mul3A_331, %mul3A_335 : vector<16xf32>
        %get3A_337 = arith.index_cast %add3A_327 : i32 to index
        %get3A_338 = arith.constant 32 : index
        %get3A_339 = tpu.vector_load %arg7[%get3A_337, %get3A_338] {strides = array<i32>} : memref<224x128xf32, #tpu.memory_space<vmem>>, vector<16xf32>,
        %mul3A_340 = arith.mulf %get3A_339, %get3A_48 : vector<16xf32>
        %add3A_341 = arith.addf %add3A_336, %mul3A_340 : vector<16xf32>
        %get3A_342 = arith.index_cast %add3A_327 : i32 to index
        %get3A_343 = arith.constant 48 : index
        %get3A_344 = tpu.vector_load %arg7[%get3A_342, %get3A_343] {strides = array<i32>} : memref<224x128xf32, #tpu.memory_space<vmem>>, vector<16xf32>,
        %mul3A_345 = arith.mulf %get3A_344, %get3A_52 : vector<16xf32>
        %add3A_346 = arith.addf %add3A_341, %mul3A_345 : vector<16xf32>
        %get3A_347 = arith.index_cast %add3A_327 : i32 to index
        %get3A_348 = arith.constant 64 : index
        %get3A_349 = tpu.vector_load %arg7[%get3A_347, %get3A_348] {strides = array<i32>} : memref<224x128xf32, #tpu.memory_space<vmem>>, vector<16xf32>,
        %mul3A_350 = arith.mulf %get3A_349, %get3A_56 : vector<16xf32>
        %add3A_351 = arith.addf %add3A_346, %mul3A_350 : vector<16xf32>
        %get3A_352 = arith.index_cast %add3A_327 : i32 to index
        %get3A_353 = arith.constant 80 : index
        %get3A_354 = tpu.vector_load %arg7[%get3A_352, %get3A_353] {strides = array<i32>} : memref<224x128xf32, #tpu.memory_space<vmem>>, vector<16xf32>,
        %mul3A_355 = arith.mulf %get3A_354, %get3A_60 : vector<16xf32>
        %add3A_356 = arith.addf %add3A_351, %mul3A_355 : vector<16xf32>
        %get3A_357 = arith.index_cast %add3A_327 : i32 to index
        %get3A_358 = arith.constant 96 : index
        %get3A_359 = tpu.vector_load %arg7[%get3A_357, %get3A_358] {strides = array<i32>} : memref<224x128xf32, #tpu.memory_space<vmem>>, vector<16xf32>,
        %mul3A_360 = arith.mulf %get3A_359, %get3A_64 : vector<16xf32>
        %add3A_361 = arith.addf %add3A_356, %mul3A_360 : vector<16xf32>
        %get3A_362 = arith.index_cast %add3A_327 : i32 to index
        %get3A_363 = arith.constant 112 : index
        %get3A_364 = tpu.vector_load %arg7[%get3A_362, %get3A_363] {strides = array<i32>} : memref<224x128xf32, #tpu.memory_space<vmem>>, vector<16xf32>,
        %mul3A_365 = arith.mulf %get3A_364, %get3A_68 : vector<16xf32>
        %add3A_366 = arith.addf %add3A_361, %mul3A_365 : vector<16xf32>
        %eq3A_367 = arith.constant 5 : i32
        %eq3A_368 = vector.broadcast %eq3A_367 : i32 to vector<16xi32>
        %eq3A_369 = arith.cmpi eq, %iota3A, %eq3A_368 : vector<16xi32>
        %reduce_sum3A_370 = arith.constant true
        %reduce_sum3A_371 = vector.broadcast %reduce_sum3A_370 : i1 to vector<16xi1>
        %reduce_sum3A_372 = tpu.scan <sum>, %add3A_366 masked %reduce_sum3A_371 : vector<16xf32>, vector<16xi1> -> vector<16xf32>
        %reduce_sum3A_373 = vector.extract %reduce_sum3A_372[15] : f32 from vector<16xf32>
        %broadcast_in_dim3A_374 = vector.broadcast %reduce_sum3A_373 : f32 to vector<16xf32>
        %select_n3A_375 = arith.select %eq3A_369, %broadcast_in_dim3A_374, %select_n3A_325 : vector<16xi1>, vector<16xf32>
        %add3A_376 = arith.constant 6 : i32
        %add3A_377 = arith.addi %mul3A_77, %add3A_376 : i32
        %get3A_378 = arith.index_cast %add3A_377 : i32 to index
        %get3A_379 = arith.constant 0 : index
        %get3A_380 = tpu.vector_load %arg7[%get3A_378, %get3A_379] {strides = array<i32>} : memref<224x128xf32, #tpu.memory_space<vmem>>, vector<16xf32>,
        %mul3A_381 = arith.mulf %get3A_380, %get3A_40 : vector<16xf32>
        %get3A_382 = arith.index_cast %add3A_377 : i32 to index
        %get3A_383 = arith.constant 16 : index
        %get3A_384 = tpu.vector_load %arg7[%get3A_382, %get3A_383] {strides = array<i32>} : memref<224x128xf32, #tpu.memory_space<vmem>>, vector<16xf32>,
        %mul3A_385 = arith.mulf %get3A_384, %get3A_44 : vector<16xf32>
        %add3A_386 = arith.addf %mul3A_381, %mul3A_385 : vector<16xf32>
        %get3A_387 = arith.index_cast %add3A_377 : i32 to index
        %get3A_388 = arith.constant 32 : index
        %get3A_389 = tpu.vector_load %arg7[%get3A_387, %get3A_388] {strides = array<i32>} : memref<224x128xf32, #tpu.memory_space<vmem>>, vector<16xf32>,
        %mul3A_390 = arith.mulf %get3A_389, %get3A_48 : vector<16xf32>
        %add3A_391 = arith.addf %add3A_386, %mul3A_390 : vector<16xf32>
        %get3A_392 = arith.index_cast %add3A_377 : i32 to index
        %get3A_393 = arith.constant 48 : index
        %get3A_394 = tpu.vector_load %arg7[%get3A_392, %get3A_393] {strides = array<i32>} : memref<224x128xf32, #tpu.memory_space<vmem>>, vector<16xf32>,
        %mul3A_395 = arith.mulf %get3A_394, %get3A_52 : vector<16xf32>
        %add3A_396 = arith.addf %add3A_391, %mul3A_395 : vector<16xf32>
        %get3A_397 = arith.index_cast %add3A_377 : i32 to index
        %get3A_398 = arith.constant 64 : index
        %get3A_399 = tpu.vector_load %arg7[%get3A_397, %get3A_398] {strides = array<i32>} : memref<224x128xf32, #tpu.memory_space<vmem>>, vector<16xf32>,
        %mul3A_400 = arith.mulf %get3A_399, %get3A_56 : vector<16xf32>
        %add3A_401 = arith.addf %add3A_396, %mul3A_400 : vector<16xf32>
        %get3A_402 = arith.index_cast %add3A_377 : i32 to index
        %get3A_403 = arith.constant 80 : index
        %get3A_404 = tpu.vector_load %arg7[%get3A_402, %get3A_403] {strides = array<i32>} : memref<224x128xf32, #tpu.memory_space<vmem>>, vector<16xf32>,
        %mul3A_405 = arith.mulf %get3A_404, %get3A_60 : vector<16xf32>
        %add3A_406 = arith.addf %add3A_401, %mul3A_405 : vector<16xf32>
        %get3A_407 = arith.index_cast %add3A_377 : i32 to index
        %get3A_408 = arith.constant 96 : index
        %get3A_409 = tpu.vector_load %arg7[%get3A_407, %get3A_408] {strides = array<i32>} : memref<224x128xf32, #tpu.memory_space<vmem>>, vector<16xf32>,
        %mul3A_410 = arith.mulf %get3A_409, %get3A_64 : vector<16xf32>
        %add3A_411 = arith.addf %add3A_406, %mul3A_410 : vector<16xf32>
        %get3A_412 = arith.index_cast %add3A_377 : i32 to index
        %get3A_413 = arith.constant 112 : index
        %get3A_414 = tpu.vector_load %arg7[%get3A_412, %get3A_413] {strides = array<i32>} : memref<224x128xf32, #tpu.memory_space<vmem>>, vector<16xf32>,
        %mul3A_415 = arith.mulf %get3A_414, %get3A_68 : vector<16xf32>
        %add3A_416 = arith.addf %add3A_411, %mul3A_415 : vector<16xf32>
        %eq3A_417 = arith.constant 6 : i32
        %eq3A_418 = vector.broadcast %eq3A_417 : i32 to vector<16xi32>
        %eq3A_419 = arith.cmpi eq, %iota3A, %eq3A_418 : vector<16xi32>
        %reduce_sum3A_420 = arith.constant true
        %reduce_sum3A_421 = vector.broadcast %reduce_sum3A_420 : i1 to vector<16xi1>
        %reduce_sum3A_422 = tpu.scan <sum>, %add3A_416 masked %reduce_sum3A_421 : vector<16xf32>, vector<16xi1> -> vector<16xf32>
        %reduce_sum3A_423 = vector.extract %reduce_sum3A_422[15] : f32 from vector<16xf32>
        %broadcast_in_dim3A_424 = vector.broadcast %reduce_sum3A_423 : f32 to vector<16xf32>
        %select_n3A_425 = arith.select %eq3A_419, %broadcast_in_dim3A_424, %select_n3A_375 : vector<16xi1>, vector<16xf32>
        %add3A_426 = arith.constant 7 : i32
        %add3A_427 = arith.addi %mul3A_77, %add3A_426 : i32
        %get3A_428 = arith.index_cast %add3A_427 : i32 to index
        %get3A_429 = arith.constant 0 : index
        %get3A_430 = tpu.vector_load %arg7[%get3A_428, %get3A_429] {strides = array<i32>} : memref<224x128xf32, #tpu.memory_space<vmem>>, vector<16xf32>,
        %mul3A_431 = arith.mulf %get3A_430, %get3A_40 : vector<16xf32>
        %get3A_432 = arith.index_cast %add3A_427 : i32 to index
        %get3A_433 = arith.constant 16 : index
        %get3A_434 = tpu.vector_load %arg7[%get3A_432, %get3A_433] {strides = array<i32>} : memref<224x128xf32, #tpu.memory_space<vmem>>, vector<16xf32>,
        %mul3A_435 = arith.mulf %get3A_434, %get3A_44 : vector<16xf32>
        %add3A_436 = arith.addf %mul3A_431, %mul3A_435 : vector<16xf32>
        %get3A_437 = arith.index_cast %add3A_427 : i32 to index
        %get3A_438 = arith.constant 32 : index
        %get3A_439 = tpu.vector_load %arg7[%get3A_437, %get3A_438] {strides = array<i32>} : memref<224x128xf32, #tpu.memory_space<vmem>>, vector<16xf32>,
        %mul3A_440 = arith.mulf %get3A_439, %get3A_48 : vector<16xf32>
        %add3A_441 = arith.addf %add3A_436, %mul3A_440 : vector<16xf32>
        %get3A_442 = arith.index_cast %add3A_427 : i32 to index
        %get3A_443 = arith.constant 48 : index
        %get3A_444 = tpu.vector_load %arg7[%get3A_442, %get3A_443] {strides = array<i32>} : memref<224x128xf32, #tpu.memory_space<vmem>>, vector<16xf32>,
        %mul3A_445 = arith.mulf %get3A_444, %get3A_52 : vector<16xf32>
        %add3A_446 = arith.addf %add3A_441, %mul3A_445 : vector<16xf32>
        %get3A_447 = arith.index_cast %add3A_427 : i32 to index
        %get3A_448 = arith.constant 64 : index
        %get3A_449 = tpu.vector_load %arg7[%get3A_447, %get3A_448] {strides = array<i32>} : memref<224x128xf32, #tpu.memory_space<vmem>>, vector<16xf32>,
        %mul3A_450 = arith.mulf %get3A_449, %get3A_56 : vector<16xf32>
        %add3A_451 = arith.addf %add3A_446, %mul3A_450 : vector<16xf32>
        %get3A_452 = arith.index_cast %add3A_427 : i32 to index
        %get3A_453 = arith.constant 80 : index
        %get3A_454 = tpu.vector_load %arg7[%get3A_452, %get3A_453] {strides = array<i32>} : memref<224x128xf32, #tpu.memory_space<vmem>>, vector<16xf32>,
        %mul3A_455 = arith.mulf %get3A_454, %get3A_60 : vector<16xf32>
        %add3A_456 = arith.addf %add3A_451, %mul3A_455 : vector<16xf32>
        %get3A_457 = arith.index_cast %add3A_427 : i32 to index
        %get3A_458 = arith.constant 96 : index
        %get3A_459 = tpu.vector_load %arg7[%get3A_457, %get3A_458] {strides = array<i32>} : memref<224x128xf32, #tpu.memory_space<vmem>>, vector<16xf32>,
        %mul3A_460 = arith.mulf %get3A_459, %get3A_64 : vector<16xf32>
        %add3A_461 = arith.addf %add3A_456, %mul3A_460 : vector<16xf32>
        %get3A_462 = arith.index_cast %add3A_427 : i32 to index
        %get3A_463 = arith.constant 112 : index
        %get3A_464 = tpu.vector_load %arg7[%get3A_462, %get3A_463] {strides = array<i32>} : memref<224x128xf32, #tpu.memory_space<vmem>>, vector<16xf32>,
        %mul3A_465 = arith.mulf %get3A_464, %get3A_68 : vector<16xf32>
        %add3A_466 = arith.addf %add3A_461, %mul3A_465 : vector<16xf32>
        %eq3A_467 = arith.constant 7 : i32
        %eq3A_468 = vector.broadcast %eq3A_467 : i32 to vector<16xi32>
        %eq3A_469 = arith.cmpi eq, %iota3A, %eq3A_468 : vector<16xi32>
        %reduce_sum3A_470 = arith.constant true
        %reduce_sum3A_471 = vector.broadcast %reduce_sum3A_470 : i1 to vector<16xi1>
        %reduce_sum3A_472 = tpu.scan <sum>, %add3A_466 masked %reduce_sum3A_471 : vector<16xf32>, vector<16xi1> -> vector<16xf32>
        %reduce_sum3A_473 = vector.extract %reduce_sum3A_472[15] : f32 from vector<16xf32>
        %broadcast_in_dim3A_474 = vector.broadcast %reduce_sum3A_473 : f32 to vector<16xf32>
        %select_n3A_475 = arith.select %eq3A_469, %broadcast_in_dim3A_474, %select_n3A_425 : vector<16xi1>, vector<16xf32>
        %add3A_476 = arith.constant 8 : i32
        %add3A_477 = arith.addi %mul3A_77, %add3A_476 : i32
        %get3A_478 = arith.index_cast %add3A_477 : i32 to index
        %get3A_479 = arith.constant 0 : index
        %get3A_480 = tpu.vector_load %arg7[%get3A_478, %get3A_479] {strides = array<i32>} : memref<224x128xf32, #tpu.memory_space<vmem>>, vector<16xf32>,
        %mul3A_481 = arith.mulf %get3A_480, %get3A_40 : vector<16xf32>
        %get3A_482 = arith.index_cast %add3A_477 : i32 to index
        %get3A_483 = arith.constant 16 : index
        %get3A_484 = tpu.vector_load %arg7[%get3A_482, %get3A_483] {strides = array<i32>} : memref<224x128xf32, #tpu.memory_space<vmem>>, vector<16xf32>,
        %mul3A_485 = arith.mulf %get3A_484, %get3A_44 : vector<16xf32>
        %add3A_486 = arith.addf %mul3A_481, %mul3A_485 : vector<16xf32>
        %get3A_487 = arith.index_cast %add3A_477 : i32 to index
        %get3A_488 = arith.constant 32 : index
        %get3A_489 = tpu.vector_load %arg7[%get3A_487, %get3A_488] {strides = array<i32>} : memref<224x128xf32, #tpu.memory_space<vmem>>, vector<16xf32>,
        %mul3A_490 = arith.mulf %get3A_489, %get3A_48 : vector<16xf32>
        %add3A_491 = arith.addf %add3A_486, %mul3A_490 : vector<16xf32>
        %get3A_492 = arith.index_cast %add3A_477 : i32 to index
        %get3A_493 = arith.constant 48 : index
        %get3A_494 = tpu.vector_load %arg7[%get3A_492, %get3A_493] {strides = array<i32>} : memref<224x128xf32, #tpu.memory_space<vmem>>, vector<16xf32>,
        %mul3A_495 = arith.mulf %get3A_494, %get3A_52 : vector<16xf32>
        %add3A_496 = arith.addf %add3A_491, %mul3A_495 : vector<16xf32>
        %get3A_497 = arith.index_cast %add3A_477 : i32 to index
        %get3A_498 = arith.constant 64 : index
        %get3A_499 = tpu.vector_load %arg7[%get3A_497, %get3A_498] {strides = array<i32>} : memref<224x128xf32, #tpu.memory_space<vmem>>, vector<16xf32>,
        %mul3A_500 = arith.mulf %get3A_499, %get3A_56 : vector<16xf32>
        %add3A_501 = arith.addf %add3A_496, %mul3A_500 : vector<16xf32>
        %get3A_502 = arith.index_cast %add3A_477 : i32 to index
        %get3A_503 = arith.constant 80 : index
        %get3A_504 = tpu.vector_load %arg7[%get3A_502, %get3A_503] {strides = array<i32>} : memref<224x128xf32, #tpu.memory_space<vmem>>, vector<16xf32>,
        %mul3A_505 = arith.mulf %get3A_504, %get3A_60 : vector<16xf32>
        %add3A_506 = arith.addf %add3A_501, %mul3A_505 : vector<16xf32>
        %get3A_507 = arith.index_cast %add3A_477 : i32 to index
        %get3A_508 = arith.constant 96 : index
        %get3A_509 = tpu.vector_load %arg7[%get3A_507, %get3A_508] {strides = array<i32>} : memref<224x128xf32, #tpu.memory_space<vmem>>, vector<16xf32>,
        %mul3A_510 = arith.mulf %get3A_509, %get3A_64 : vector<16xf32>
        %add3A_511 = arith.addf %add3A_506, %mul3A_510 : vector<16xf32>
        %get3A_512 = arith.index_cast %add3A_477 : i32 to index
        %get3A_513 = arith.constant 112 : index
        %get3A_514 = tpu.vector_load %arg7[%get3A_512, %get3A_513] {strides = array<i32>} : memref<224x128xf32, #tpu.memory_space<vmem>>, vector<16xf32>,
        %mul3A_515 = arith.mulf %get3A_514, %get3A_68 : vector<16xf32>
        %add3A_516 = arith.addf %add3A_511, %mul3A_515 : vector<16xf32>
        %eq3A_517 = arith.constant 8 : i32
        %eq3A_518 = vector.broadcast %eq3A_517 : i32 to vector<16xi32>
        %eq3A_519 = arith.cmpi eq, %iota3A, %eq3A_518 : vector<16xi32>
        %reduce_sum3A_520 = arith.constant true
        %reduce_sum3A_521 = vector.broadcast %reduce_sum3A_520 : i1 to vector<16xi1>
        %reduce_sum3A_522 = tpu.scan <sum>, %add3A_516 masked %reduce_sum3A_521 : vector<16xf32>, vector<16xi1> -> vector<16xf32>
        %reduce_sum3A_523 = vector.extract %reduce_sum3A_522[15] : f32 from vector<16xf32>
        %broadcast_in_dim3A_524 = vector.broadcast %reduce_sum3A_523 : f32 to vector<16xf32>
        %select_n3A_525 = arith.select %eq3A_519, %broadcast_in_dim3A_524, %select_n3A_475 : vector<16xi1>, vector<16xf32>
        %add3A_526 = arith.constant 9 : i32
        %add3A_527 = arith.addi %mul3A_77, %add3A_526 : i32
        %get3A_528 = arith.index_cast %add3A_527 : i32 to index
        %get3A_529 = arith.constant 0 : index
        %get3A_530 = tpu.vector_load %arg7[%get3A_528, %get3A_529] {strides = array<i32>} : memref<224x128xf32, #tpu.memory_space<vmem>>, vector<16xf32>,
        %mul3A_531 = arith.mulf %get3A_530, %get3A_40 : vector<16xf32>
        %get3A_532 = arith.index_cast %add3A_527 : i32 to index
        %get3A_533 = arith.constant 16 : index
        %get3A_534 = tpu.vector_load %arg7[%get3A_532, %get3A_533] {strides = array<i32>} : memref<224x128xf32, #tpu.memory_space<vmem>>, vector<16xf32>,
        %mul3A_535 = arith.mulf %get3A_534, %get3A_44 : vector<16xf32>
        %add3A_536 = arith.addf %mul3A_531, %mul3A_535 : vector<16xf32>
        %get3A_537 = arith.index_cast %add3A_527 : i32 to index
        %get3A_538 = arith.constant 32 : index
        %get3A_539 = tpu.vector_load %arg7[%get3A_537, %get3A_538] {strides = array<i32>} : memref<224x128xf32, #tpu.memory_space<vmem>>, vector<16xf32>,
        %mul3A_540 = arith.mulf %get3A_539, %get3A_48 : vector<16xf32>
        %add3A_541 = arith.addf %add3A_536, %mul3A_540 : vector<16xf32>
        %get3A_542 = arith.index_cast %add3A_527 : i32 to index
        %get3A_543 = arith.constant 48 : index
        %get3A_544 = tpu.vector_load %arg7[%get3A_542, %get3A_543] {strides = array<i32>} : memref<224x128xf32, #tpu.memory_space<vmem>>, vector<16xf32>,
        %mul3A_545 = arith.mulf %get3A_544, %get3A_52 : vector<16xf32>
        %add3A_546 = arith.addf %add3A_541, %mul3A_545 : vector<16xf32>
        %get3A_547 = arith.index_cast %add3A_527 : i32 to index
        %get3A_548 = arith.constant 64 : index
        %get3A_549 = tpu.vector_load %arg7[%get3A_547, %get3A_548] {strides = array<i32>} : memref<224x128xf32, #tpu.memory_space<vmem>>, vector<16xf32>,
        %mul3A_550 = arith.mulf %get3A_549, %get3A_56 : vector<16xf32>
        %add3A_551 = arith.addf %add3A_546, %mul3A_550 : vector<16xf32>
        %get3A_552 = arith.index_cast %add3A_527 : i32 to index
        %get3A_553 = arith.constant 80 : index
        %get3A_554 = tpu.vector_load %arg7[%get3A_552, %get3A_553] {strides = array<i32>} : memref<224x128xf32, #tpu.memory_space<vmem>>, vector<16xf32>,
        %mul3A_555 = arith.mulf %get3A_554, %get3A_60 : vector<16xf32>
        %add3A_556 = arith.addf %add3A_551, %mul3A_555 : vector<16xf32>
        %get3A_557 = arith.index_cast %add3A_527 : i32 to index
        %get3A_558 = arith.constant 96 : index
        %get3A_559 = tpu.vector_load %arg7[%get3A_557, %get3A_558] {strides = array<i32>} : memref<224x128xf32, #tpu.memory_space<vmem>>, vector<16xf32>,
        %mul3A_560 = arith.mulf %get3A_559, %get3A_64 : vector<16xf32>
        %add3A_561 = arith.addf %add3A_556, %mul3A_560 : vector<16xf32>
        %get3A_562 = arith.index_cast %add3A_527 : i32 to index
        %get3A_563 = arith.constant 112 : index
        %get3A_564 = tpu.vector_load %arg7[%get3A_562, %get3A_563] {strides = array<i32>} : memref<224x128xf32, #tpu.memory_space<vmem>>, vector<16xf32>,
        %mul3A_565 = arith.mulf %get3A_564, %get3A_68 : vector<16xf32>
        %add3A_566 = arith.addf %add3A_561, %mul3A_565 : vector<16xf32>
        %eq3A_567 = arith.constant 9 : i32
        %eq3A_568 = vector.broadcast %eq3A_567 : i32 to vector<16xi32>
        %eq3A_569 = arith.cmpi eq, %iota3A, %eq3A_568 : vector<16xi32>
        %reduce_sum3A_570 = arith.constant true
        %reduce_sum3A_571 = vector.broadcast %reduce_sum3A_570 : i1 to vector<16xi1>
        %reduce_sum3A_572 = tpu.scan <sum>, %add3A_566 masked %reduce_sum3A_571 : vector<16xf32>, vector<16xi1> -> vector<16xf32>
        %reduce_sum3A_573 = vector.extract %reduce_sum3A_572[15] : f32 from vector<16xf32>
        %broadcast_in_dim3A_574 = vector.broadcast %reduce_sum3A_573 : f32 to vector<16xf32>
        %select_n3A_575 = arith.select %eq3A_569, %broadcast_in_dim3A_574, %select_n3A_525 : vector<16xi1>, vector<16xf32>
        %add3A_576 = arith.constant 10 : i32
        %add3A_577 = arith.addi %mul3A_77, %add3A_576 : i32
        %get3A_578 = arith.index_cast %add3A_577 : i32 to index
        %get3A_579 = arith.constant 0 : index
        %get3A_580 = tpu.vector_load %arg7[%get3A_578, %get3A_579] {strides = array<i32>} : memref<224x128xf32, #tpu.memory_space<vmem>>, vector<16xf32>,
        %mul3A_581 = arith.mulf %get3A_580, %get3A_40 : vector<16xf32>
        %get3A_582 = arith.index_cast %add3A_577 : i32 to index
        %get3A_583 = arith.constant 16 : index
        %get3A_584 = tpu.vector_load %arg7[%get3A_582, %get3A_583] {strides = array<i32>} : memref<224x128xf32, #tpu.memory_space<vmem>>, vector<16xf32>,
        %mul3A_585 = arith.mulf %get3A_584, %get3A_44 : vector<16xf32>
        %add3A_586 = arith.addf %mul3A_581, %mul3A_585 : vector<16xf32>
        %get3A_587 = arith.index_cast %add3A_577 : i32 to index
        %get3A_588 = arith.constant 32 : index
        %get3A_589 = tpu.vector_load %arg7[%get3A_587, %get3A_588] {strides = array<i32>} : memref<224x128xf32, #tpu.memory_space<vmem>>, vector<16xf32>,
        %mul3A_590 = arith.mulf %get3A_589, %get3A_48 : vector<16xf32>
        %add3A_591 = arith.addf %add3A_586, %mul3A_590 : vector<16xf32>
        %get3A_592 = arith.index_cast %add3A_577 : i32 to index
        %get3A_593 = arith.constant 48 : index
        %get3A_594 = tpu.vector_load %arg7[%get3A_592, %get3A_593] {strides = array<i32>} : memref<224x128xf32, #tpu.memory_space<vmem>>, vector<16xf32>,
        %mul3A_595 = arith.mulf %get3A_594, %get3A_52 : vector<16xf32>
        %add3A_596 = arith.addf %add3A_591, %mul3A_595 : vector<16xf32>
        %get3A_597 = arith.index_cast %add3A_577 : i32 to index
        %get3A_598 = arith.constant 64 : index
        %get3A_599 = tpu.vector_load %arg7[%get3A_597, %get3A_598] {strides = array<i32>} : memref<224x128xf32, #tpu.memory_space<vmem>>, vector<16xf32>,
        %mul3A_600 = arith.mulf %get3A_599, %get3A_56 : vector<16xf32>
        %add3A_601 = arith.addf %add3A_596, %mul3A_600 : vector<16xf32>
        %get3A_602 = arith.index_cast %add3A_577 : i32 to index
        %get3A_603 = arith.constant 80 : index
        %get3A_604 = tpu.vector_load %arg7[%get3A_602, %get3A_603] {strides = array<i32>} : memref<224x128xf32, #tpu.memory_space<vmem>>, vector<16xf32>,
        %mul3A_605 = arith.mulf %get3A_604, %get3A_60 : vector<16xf32>
        %add3A_606 = arith.addf %add3A_601, %mul3A_605 : vector<16xf32>
        %get3A_607 = arith.index_cast %add3A_577 : i32 to index
        %get3A_608 = arith.constant 96 : index
        %get3A_609 = tpu.vector_load %arg7[%get3A_607, %get3A_608] {strides = array<i32>} : memref<224x128xf32, #tpu.memory_space<vmem>>, vector<16xf32>,
        %mul3A_610 = arith.mulf %get3A_609, %get3A_64 : vector<16xf32>
        %add3A_611 = arith.addf %add3A_606, %mul3A_610 : vector<16xf32>
        %get3A_612 = arith.index_cast %add3A_577 : i32 to index
        %get3A_613 = arith.constant 112 : index
        %get3A_614 = tpu.vector_load %arg7[%get3A_612, %get3A_613] {strides = array<i32>} : memref<224x128xf32, #tpu.memory_space<vmem>>, vector<16xf32>,
        %mul3A_615 = arith.mulf %get3A_614, %get3A_68 : vector<16xf32>
        %add3A_616 = arith.addf %add3A_611, %mul3A_615 : vector<16xf32>
        %eq3A_617 = arith.constant 10 : i32
        %eq3A_618 = vector.broadcast %eq3A_617 : i32 to vector<16xi32>
        %eq3A_619 = arith.cmpi eq, %iota3A, %eq3A_618 : vector<16xi32>
        %reduce_sum3A_620 = arith.constant true
        %reduce_sum3A_621 = vector.broadcast %reduce_sum3A_620 : i1 to vector<16xi1>
        %reduce_sum3A_622 = tpu.scan <sum>, %add3A_616 masked %reduce_sum3A_621 : vector<16xf32>, vector<16xi1> -> vector<16xf32>
        %reduce_sum3A_623 = vector.extract %reduce_sum3A_622[15] : f32 from vector<16xf32>
        %broadcast_in_dim3A_624 = vector.broadcast %reduce_sum3A_623 : f32 to vector<16xf32>
        %select_n3A_625 = arith.select %eq3A_619, %broadcast_in_dim3A_624, %select_n3A_575 : vector<16xi1>, vector<16xf32>
        %add3A_626 = arith.constant 11 : i32
        %add3A_627 = arith.addi %mul3A_77, %add3A_626 : i32
        %get3A_628 = arith.index_cast %add3A_627 : i32 to index
        %get3A_629 = arith.constant 0 : index
        %get3A_630 = tpu.vector_load %arg7[%get3A_628, %get3A_629] {strides = array<i32>} : memref<224x128xf32, #tpu.memory_space<vmem>>, vector<16xf32>,
        %mul3A_631 = arith.mulf %get3A_630, %get3A_40 : vector<16xf32>
        %get3A_632 = arith.index_cast %add3A_627 : i32 to index
        %get3A_633 = arith.constant 16 : index
        %get3A_634 = tpu.vector_load %arg7[%get3A_632, %get3A_633] {strides = array<i32>} : memref<224x128xf32, #tpu.memory_space<vmem>>, vector<16xf32>,
        %mul3A_635 = arith.mulf %get3A_634, %get3A_44 : vector<16xf32>
        %add3A_636 = arith.addf %mul3A_631, %mul3A_635 : vector<16xf32>
        %get3A_637 = arith.index_cast %add3A_627 : i32 to index
        %get3A_638 = arith.constant 32 : index
        %get3A_639 = tpu.vector_load %arg7[%get3A_637, %get3A_638] {strides = array<i32>} : memref<224x128xf32, #tpu.memory_space<vmem>>, vector<16xf32>,
        %mul3A_640 = arith.mulf %get3A_639, %get3A_48 : vector<16xf32>
        %add3A_641 = arith.addf %add3A_636, %mul3A_640 : vector<16xf32>
        %get3A_642 = arith.index_cast %add3A_627 : i32 to index
        %get3A_643 = arith.constant 48 : index
        %get3A_644 = tpu.vector_load %arg7[%get3A_642, %get3A_643] {strides = array<i32>} : memref<224x128xf32, #tpu.memory_space<vmem>>, vector<16xf32>,
        %mul3A_645 = arith.mulf %get3A_644, %get3A_52 : vector<16xf32>
        %add3A_646 = arith.addf %add3A_641, %mul3A_645 : vector<16xf32>
        %get3A_647 = arith.index_cast %add3A_627 : i32 to index
        %get3A_648 = arith.constant 64 : index
        %get3A_649 = tpu.vector_load %arg7[%get3A_647, %get3A_648] {strides = array<i32>} : memref<224x128xf32, #tpu.memory_space<vmem>>, vector<16xf32>,
        %mul3A_650 = arith.mulf %get3A_649, %get3A_56 : vector<16xf32>
        %add3A_651 = arith.addf %add3A_646, %mul3A_650 : vector<16xf32>
        %get3A_652 = arith.index_cast %add3A_627 : i32 to index
        %get3A_653 = arith.constant 80 : index
        %get3A_654 = tpu.vector_load %arg7[%get3A_652, %get3A_653] {strides = array<i32>} : memref<224x128xf32, #tpu.memory_space<vmem>>, vector<16xf32>,
        %mul3A_655 = arith.mulf %get3A_654, %get3A_60 : vector<16xf32>
        %add3A_656 = arith.addf %add3A_651, %mul3A_655 : vector<16xf32>
        %get3A_657 = arith.index_cast %add3A_627 : i32 to index
        %get3A_658 = arith.constant 96 : index
        %get3A_659 = tpu.vector_load %arg7[%get3A_657, %get3A_658] {strides = array<i32>} : memref<224x128xf32, #tpu.memory_space<vmem>>, vector<16xf32>,
        %mul3A_660 = arith.mulf %get3A_659, %get3A_64 : vector<16xf32>
        %add3A_661 = arith.addf %add3A_656, %mul3A_660 : vector<16xf32>
        %get3A_662 = arith.index_cast %add3A_627 : i32 to index
        %get3A_663 = arith.constant 112 : index
        %get3A_664 = tpu.vector_load %arg7[%get3A_662, %get3A_663] {strides = array<i32>} : memref<224x128xf32, #tpu.memory_space<vmem>>, vector<16xf32>,
        %mul3A_665 = arith.mulf %get3A_664, %get3A_68 : vector<16xf32>
        %add3A_666 = arith.addf %add3A_661, %mul3A_665 : vector<16xf32>
        %eq3A_667 = arith.constant 11 : i32
        %eq3A_668 = vector.broadcast %eq3A_667 : i32 to vector<16xi32>
        %eq3A_669 = arith.cmpi eq, %iota3A, %eq3A_668 : vector<16xi32>
        %reduce_sum3A_670 = arith.constant true
        %reduce_sum3A_671 = vector.broadcast %reduce_sum3A_670 : i1 to vector<16xi1>
        %reduce_sum3A_672 = tpu.scan <sum>, %add3A_666 masked %reduce_sum3A_671 : vector<16xf32>, vector<16xi1> -> vector<16xf32>
        %reduce_sum3A_673 = vector.extract %reduce_sum3A_672[15] : f32 from vector<16xf32>
        %broadcast_in_dim3A_674 = vector.broadcast %reduce_sum3A_673 : f32 to vector<16xf32>
        %select_n3A_675 = arith.select %eq3A_669, %broadcast_in_dim3A_674, %select_n3A_625 : vector<16xi1>, vector<16xf32>
        %add3A_676 = arith.constant 12 : i32
        %add3A_677 = arith.addi %mul3A_77, %add3A_676 : i32
        %get3A_678 = arith.index_cast %add3A_677 : i32 to index
        %get3A_679 = arith.constant 0 : index
        %get3A_680 = tpu.vector_load %arg7[%get3A_678, %get3A_679] {strides = array<i32>} : memref<224x128xf32, #tpu.memory_space<vmem>>, vector<16xf32>,
        %mul3A_681 = arith.mulf %get3A_680, %get3A_40 : vector<16xf32>
        %get3A_682 = arith.index_cast %add3A_677 : i32 to index
        %get3A_683 = arith.constant 16 : index
        %get3A_684 = tpu.vector_load %arg7[%get3A_682, %get3A_683] {strides = array<i32>} : memref<224x128xf32, #tpu.memory_space<vmem>>, vector<16xf32>,
        %mul3A_685 = arith.mulf %get3A_684, %get3A_44 : vector<16xf32>
        %add3A_686 = arith.addf %mul3A_681, %mul3A_685 : vector<16xf32>
        %get3A_687 = arith.index_cast %add3A_677 : i32 to index
        %get3A_688 = arith.constant 32 : index
        %get3A_689 = tpu.vector_load %arg7[%get3A_687, %get3A_688] {strides = array<i32>} : memref<224x128xf32, #tpu.memory_space<vmem>>, vector<16xf32>,
        %mul3A_690 = arith.mulf %get3A_689, %get3A_48 : vector<16xf32>
        %add3A_691 = arith.addf %add3A_686, %mul3A_690 : vector<16xf32>
        %get3A_692 = arith.index_cast %add3A_677 : i32 to index
        %get3A_693 = arith.constant 48 : index
        %get3A_694 = tpu.vector_load %arg7[%get3A_692, %get3A_693] {strides = array<i32>} : memref<224x128xf32, #tpu.memory_space<vmem>>, vector<16xf32>,
        %mul3A_695 = arith.mulf %get3A_694, %get3A_52 : vector<16xf32>
        %add3A_696 = arith.addf %add3A_691, %mul3A_695 : vector<16xf32>
        %get3A_697 = arith.index_cast %add3A_677 : i32 to index
        %get3A_698 = arith.constant 64 : index
        %get3A_699 = tpu.vector_load %arg7[%get3A_697, %get3A_698] {strides = array<i32>} : memref<224x128xf32, #tpu.memory_space<vmem>>, vector<16xf32>,
        %mul3A_700 = arith.mulf %get3A_699, %get3A_56 : vector<16xf32>
        %add3A_701 = arith.addf %add3A_696, %mul3A_700 : vector<16xf32>
        %get3A_702 = arith.index_cast %add3A_677 : i32 to index
        %get3A_703 = arith.constant 80 : index
        %get3A_704 = tpu.vector_load %arg7[%get3A_702, %get3A_703] {strides = array<i32>} : memref<224x128xf32, #tpu.memory_space<vmem>>, vector<16xf32>,
        %mul3A_705 = arith.mulf %get3A_704, %get3A_60 : vector<16xf32>
        %add3A_706 = arith.addf %add3A_701, %mul3A_705 : vector<16xf32>
        %get3A_707 = arith.index_cast %add3A_677 : i32 to index
        %get3A_708 = arith.constant 96 : index
        %get3A_709 = tpu.vector_load %arg7[%get3A_707, %get3A_708] {strides = array<i32>} : memref<224x128xf32, #tpu.memory_space<vmem>>, vector<16xf32>,
        %mul3A_710 = arith.mulf %get3A_709, %get3A_64 : vector<16xf32>
        %add3A_711 = arith.addf %add3A_706, %mul3A_710 : vector<16xf32>
        %get3A_712 = arith.index_cast %add3A_677 : i32 to index
        %get3A_713 = arith.constant 112 : index
        %get3A_714 = tpu.vector_load %arg7[%get3A_712, %get3A_713] {strides = array<i32>} : memref<224x128xf32, #tpu.memory_space<vmem>>, vector<16xf32>,
        %mul3A_715 = arith.mulf %get3A_714, %get3A_68 : vector<16xf32>
        %add3A_716 = arith.addf %add3A_711, %mul3A_715 : vector<16xf32>
        %eq3A_717 = arith.constant 12 : i32
        %eq3A_718 = vector.broadcast %eq3A_717 : i32 to vector<16xi32>
        %eq3A_719 = arith.cmpi eq, %iota3A, %eq3A_718 : vector<16xi32>
        %reduce_sum3A_720 = arith.constant true
        %reduce_sum3A_721 = vector.broadcast %reduce_sum3A_720 : i1 to vector<16xi1>
        %reduce_sum3A_722 = tpu.scan <sum>, %add3A_716 masked %reduce_sum3A_721 : vector<16xf32>, vector<16xi1> -> vector<16xf32>
        %reduce_sum3A_723 = vector.extract %reduce_sum3A_722[15] : f32 from vector<16xf32>
        %broadcast_in_dim3A_724 = vector.broadcast %reduce_sum3A_723 : f32 to vector<16xf32>
        %select_n3A_725 = arith.select %eq3A_719, %broadcast_in_dim3A_724, %select_n3A_675 : vector<16xi1>, vector<16xf32>
        %add3A_726 = arith.constant 13 : i32
        %add3A_727 = arith.addi %mul3A_77, %add3A_726 : i32
        %get3A_728 = arith.index_cast %add3A_727 : i32 to index
        %get3A_729 = arith.constant 0 : index
        %get3A_730 = tpu.vector_load %arg7[%get3A_728, %get3A_729] {strides = array<i32>} : memref<224x128xf32, #tpu.memory_space<vmem>>, vector<16xf32>,
        %mul3A_731 = arith.mulf %get3A_730, %get3A_40 : vector<16xf32>
        %get3A_732 = arith.index_cast %add3A_727 : i32 to index
        %get3A_733 = arith.constant 16 : index
        %get3A_734 = tpu.vector_load %arg7[%get3A_732, %get3A_733] {strides = array<i32>} : memref<224x128xf32, #tpu.memory_space<vmem>>, vector<16xf32>,
        %mul3A_735 = arith.mulf %get3A_734, %get3A_44 : vector<16xf32>
        %add3A_736 = arith.addf %mul3A_731, %mul3A_735 : vector<16xf32>
        %get3A_737 = arith.index_cast %add3A_727 : i32 to index
        %get3A_738 = arith.constant 32 : index
        %get3A_739 = tpu.vector_load %arg7[%get3A_737, %get3A_738] {strides = array<i32>} : memref<224x128xf32, #tpu.memory_space<vmem>>, vector<16xf32>,
        %mul3A_740 = arith.mulf %get3A_739, %get3A_48 : vector<16xf32>
        %add3A_741 = arith.addf %add3A_736, %mul3A_740 : vector<16xf32>
        %get3A_742 = arith.index_cast %add3A_727 : i32 to index
        %get3A_743 = arith.constant 48 : index
        %get3A_744 = tpu.vector_load %arg7[%get3A_742, %get3A_743] {strides = array<i32>} : memref<224x128xf32, #tpu.memory_space<vmem>>, vector<16xf32>,
        %mul3A_745 = arith.mulf %get3A_744, %get3A_52 : vector<16xf32>
        %add3A_746 = arith.addf %add3A_741, %mul3A_745 : vector<16xf32>
        %get3A_747 = arith.index_cast %add3A_727 : i32 to index
        %get3A_748 = arith.constant 64 : index
        %get3A_749 = tpu.vector_load %arg7[%get3A_747, %get3A_748] {strides = array<i32>} : memref<224x128xf32, #tpu.memory_space<vmem>>, vector<16xf32>,
        %mul3A_750 = arith.mulf %get3A_749, %get3A_56 : vector<16xf32>
        %add3A_751 = arith.addf %add3A_746, %mul3A_750 : vector<16xf32>
        %get3A_752 = arith.index_cast %add3A_727 : i32 to index
        %get3A_753 = arith.constant 80 : index
        %get3A_754 = tpu.vector_load %arg7[%get3A_752, %get3A_753] {strides = array<i32>} : memref<224x128xf32, #tpu.memory_space<vmem>>, vector<16xf32>,
        %mul3A_755 = arith.mulf %get3A_754, %get3A_60 : vector<16xf32>
        %add3A_756 = arith.addf %add3A_751, %mul3A_755 : vector<16xf32>
        %get3A_757 = arith.index_cast %add3A_727 : i32 to index
        %get3A_758 = arith.constant 96 : index
        %get3A_759 = tpu.vector_load %arg7[%get3A_757, %get3A_758] {strides = array<i32>} : memref<224x128xf32, #tpu.memory_space<vmem>>, vector<16xf32>,
        %mul3A_760 = arith.mulf %get3A_759, %get3A_64 : vector<16xf32>
        %add3A_761 = arith.addf %add3A_756, %mul3A_760 : vector<16xf32>
        %get3A_762 = arith.index_cast %add3A_727 : i32 to index
        %get3A_763 = arith.constant 112 : index
        %get3A_764 = tpu.vector_load %arg7[%get3A_762, %get3A_763] {strides = array<i32>} : memref<224x128xf32, #tpu.memory_space<vmem>>, vector<16xf32>,
        %mul3A_765 = arith.mulf %get3A_764, %get3A_68 : vector<16xf32>
        %add3A_766 = arith.addf %add3A_761, %mul3A_765 : vector<16xf32>
        %eq3A_767 = arith.constant 13 : i32
        %eq3A_768 = vector.broadcast %eq3A_767 : i32 to vector<16xi32>
        %eq3A_769 = arith.cmpi eq, %iota3A, %eq3A_768 : vector<16xi32>
        %reduce_sum3A_770 = arith.constant true
        %reduce_sum3A_771 = vector.broadcast %reduce_sum3A_770 : i1 to vector<16xi1>
        %reduce_sum3A_772 = tpu.scan <sum>, %add3A_766 masked %reduce_sum3A_771 : vector<16xf32>, vector<16xi1> -> vector<16xf32>
        %reduce_sum3A_773 = vector.extract %reduce_sum3A_772[15] : f32 from vector<16xf32>
        %broadcast_in_dim3A_774 = vector.broadcast %reduce_sum3A_773 : f32 to vector<16xf32>
        %select_n3A_775 = arith.select %eq3A_769, %broadcast_in_dim3A_774, %select_n3A_725 : vector<16xi1>, vector<16xf32>
        %add3A_776 = arith.constant 14 : i32
        %add3A_777 = arith.addi %mul3A_77, %add3A_776 : i32
        %get3A_778 = arith.index_cast %add3A_777 : i32 to index
        %get3A_779 = arith.constant 0 : index
        %get3A_780 = tpu.vector_load %arg7[%get3A_778, %get3A_779] {strides = array<i32>} : memref<224x128xf32, #tpu.memory_space<vmem>>, vector<16xf32>,
        %mul3A_781 = arith.mulf %get3A_780, %get3A_40 : vector<16xf32>
        %get3A_782 = arith.index_cast %add3A_777 : i32 to index
        %get3A_783 = arith.constant 16 : index
        %get3A_784 = tpu.vector_load %arg7[%get3A_782, %get3A_783] {strides = array<i32>} : memref<224x128xf32, #tpu.memory_space<vmem>>, vector<16xf32>,
        %mul3A_785 = arith.mulf %get3A_784, %get3A_44 : vector<16xf32>
        %add3A_786 = arith.addf %mul3A_781, %mul3A_785 : vector<16xf32>
        %get3A_787 = arith.index_cast %add3A_777 : i32 to index
        %get3A_788 = arith.constant 32 : index
        %get3A_789 = tpu.vector_load %arg7[%get3A_787, %get3A_788] {strides = array<i32>} : memref<224x128xf32, #tpu.memory_space<vmem>>, vector<16xf32>,
        %mul3A_790 = arith.mulf %get3A_789, %get3A_48 : vector<16xf32>
        %add3A_791 = arith.addf %add3A_786, %mul3A_790 : vector<16xf32>
        %get3A_792 = arith.index_cast %add3A_777 : i32 to index
        %get3A_793 = arith.constant 48 : index
        %get3A_794 = tpu.vector_load %arg7[%get3A_792, %get3A_793] {strides = array<i32>} : memref<224x128xf32, #tpu.memory_space<vmem>>, vector<16xf32>,
        %mul3A_795 = arith.mulf %get3A_794, %get3A_52 : vector<16xf32>
        %add3A_796 = arith.addf %add3A_791, %mul3A_795 : vector<16xf32>
        %get3A_797 = arith.index_cast %add3A_777 : i32 to index
        %get3A_798 = arith.constant 64 : index
        %get3A_799 = tpu.vector_load %arg7[%get3A_797, %get3A_798] {strides = array<i32>} : memref<224x128xf32, #tpu.memory_space<vmem>>, vector<16xf32>,
        %mul3A_800 = arith.mulf %get3A_799, %get3A_56 : vector<16xf32>
        %add3A_801 = arith.addf %add3A_796, %mul3A_800 : vector<16xf32>
        %get3A_802 = arith.index_cast %add3A_777 : i32 to index
        %get3A_803 = arith.constant 80 : index
        %get3A_804 = tpu.vector_load %arg7[%get3A_802, %get3A_803] {strides = array<i32>} : memref<224x128xf32, #tpu.memory_space<vmem>>, vector<16xf32>,
        %mul3A_805 = arith.mulf %get3A_804, %get3A_60 : vector<16xf32>
        %add3A_806 = arith.addf %add3A_801, %mul3A_805 : vector<16xf32>
        %get3A_807 = arith.index_cast %add3A_777 : i32 to index
        %get3A_808 = arith.constant 96 : index
        %get3A_809 = tpu.vector_load %arg7[%get3A_807, %get3A_808] {strides = array<i32>} : memref<224x128xf32, #tpu.memory_space<vmem>>, vector<16xf32>,
        %mul3A_810 = arith.mulf %get3A_809, %get3A_64 : vector<16xf32>
        %add3A_811 = arith.addf %add3A_806, %mul3A_810 : vector<16xf32>
        %get3A_812 = arith.index_cast %add3A_777 : i32 to index
        %get3A_813 = arith.constant 112 : index
        %get3A_814 = tpu.vector_load %arg7[%get3A_812, %get3A_813] {strides = array<i32>} : memref<224x128xf32, #tpu.memory_space<vmem>>, vector<16xf32>,
        %mul3A_815 = arith.mulf %get3A_814, %get3A_68 : vector<16xf32>
        %add3A_816 = arith.addf %add3A_811, %mul3A_815 : vector<16xf32>
        %eq3A_817 = arith.constant 14 : i32
        %eq3A_818 = vector.broadcast %eq3A_817 : i32 to vector<16xi32>
        %eq3A_819 = arith.cmpi eq, %iota3A, %eq3A_818 : vector<16xi32>
        %reduce_sum3A_820 = arith.constant true
        %reduce_sum3A_821 = vector.broadcast %reduce_sum3A_820 : i1 to vector<16xi1>
        %reduce_sum3A_822 = tpu.scan <sum>, %add3A_816 masked %reduce_sum3A_821 : vector<16xf32>, vector<16xi1> -> vector<16xf32>
        %reduce_sum3A_823 = vector.extract %reduce_sum3A_822[15] : f32 from vector<16xf32>
        %broadcast_in_dim3A_824 = vector.broadcast %reduce_sum3A_823 : f32 to vector<16xf32>
        %select_n3A_825 = arith.select %eq3A_819, %broadcast_in_dim3A_824, %select_n3A_775 : vector<16xi1>, vector<16xf32>
        %add3A_826 = arith.constant 15 : i32
        %add3A_827 = arith.addi %mul3A_77, %add3A_826 : i32
        %get3A_828 = arith.index_cast %add3A_827 : i32 to index
        %get3A_829 = arith.constant 0 : index
        %get3A_830 = tpu.vector_load %arg7[%get3A_828, %get3A_829] {strides = array<i32>} : memref<224x128xf32, #tpu.memory_space<vmem>>, vector<16xf32>,
        %mul3A_831 = arith.mulf %get3A_830, %get3A_40 : vector<16xf32>
        %get3A_832 = arith.index_cast %add3A_827 : i32 to index
        %get3A_833 = arith.constant 16 : index
        %get3A_834 = tpu.vector_load %arg7[%get3A_832, %get3A_833] {strides = array<i32>} : memref<224x128xf32, #tpu.memory_space<vmem>>, vector<16xf32>,
        %mul3A_835 = arith.mulf %get3A_834, %get3A_44 : vector<16xf32>
        %add3A_836 = arith.addf %mul3A_831, %mul3A_835 : vector<16xf32>
        %get3A_837 = arith.index_cast %add3A_827 : i32 to index
        %get3A_838 = arith.constant 32 : index
        %get3A_839 = tpu.vector_load %arg7[%get3A_837, %get3A_838] {strides = array<i32>} : memref<224x128xf32, #tpu.memory_space<vmem>>, vector<16xf32>,
        %mul3A_840 = arith.mulf %get3A_839, %get3A_48 : vector<16xf32>
        %add3A_841 = arith.addf %add3A_836, %mul3A_840 : vector<16xf32>
        %get3A_842 = arith.index_cast %add3A_827 : i32 to index
        %get3A_843 = arith.constant 48 : index
        %get3A_844 = tpu.vector_load %arg7[%get3A_842, %get3A_843] {strides = array<i32>} : memref<224x128xf32, #tpu.memory_space<vmem>>, vector<16xf32>,
        %mul3A_845 = arith.mulf %get3A_844, %get3A_52 : vector<16xf32>
        %add3A_846 = arith.addf %add3A_841, %mul3A_845 : vector<16xf32>
        %get3A_847 = arith.index_cast %add3A_827 : i32 to index
        %get3A_848 = arith.constant 64 : index
        %get3A_849 = tpu.vector_load %arg7[%get3A_847, %get3A_848] {strides = array<i32>} : memref<224x128xf32, #tpu.memory_space<vmem>>, vector<16xf32>,
        %mul3A_850 = arith.mulf %get3A_849, %get3A_56 : vector<16xf32>
        %add3A_851 = arith.addf %add3A_846, %mul3A_850 : vector<16xf32>
        %get3A_852 = arith.index_cast %add3A_827 : i32 to index
        %get3A_853 = arith.constant 80 : index
        %get3A_854 = tpu.vector_load %arg7[%get3A_852, %get3A_853] {strides = array<i32>} : memref<224x128xf32, #tpu.memory_space<vmem>>, vector<16xf32>,
        %mul3A_855 = arith.mulf %get3A_854, %get3A_60 : vector<16xf32>
        %add3A_856 = arith.addf %add3A_851, %mul3A_855 : vector<16xf32>
        %get3A_857 = arith.index_cast %add3A_827 : i32 to index
        %get3A_858 = arith.constant 96 : index
        %get3A_859 = tpu.vector_load %arg7[%get3A_857, %get3A_858] {strides = array<i32>} : memref<224x128xf32, #tpu.memory_space<vmem>>, vector<16xf32>,
        %mul3A_860 = arith.mulf %get3A_859, %get3A_64 : vector<16xf32>
        %add3A_861 = arith.addf %add3A_856, %mul3A_860 : vector<16xf32>
        %get3A_862 = arith.index_cast %add3A_827 : i32 to index
        %get3A_863 = arith.constant 112 : index
        %get3A_864 = tpu.vector_load %arg7[%get3A_862, %get3A_863] {strides = array<i32>} : memref<224x128xf32, #tpu.memory_space<vmem>>, vector<16xf32>,
        %mul3A_865 = arith.mulf %get3A_864, %get3A_68 : vector<16xf32>
        %add3A_866 = arith.addf %add3A_861, %mul3A_865 : vector<16xf32>
        %eq3A_867 = arith.constant 15 : i32
        %eq3A_868 = vector.broadcast %eq3A_867 : i32 to vector<16xi32>
        %eq3A_869 = arith.cmpi eq, %iota3A, %eq3A_868 : vector<16xi32>
        %reduce_sum3A_870 = arith.constant true
        %reduce_sum3A_871 = vector.broadcast %reduce_sum3A_870 : i1 to vector<16xi1>
        %reduce_sum3A_872 = tpu.scan <sum>, %add3A_866 masked %reduce_sum3A_871 : vector<16xf32>, vector<16xi1> -> vector<16xf32>
        %reduce_sum3A_873 = vector.extract %reduce_sum3A_872[15] : f32 from vector<16xf32>
        %broadcast_in_dim3A_874 = vector.broadcast %reduce_sum3A_873 : f32 to vector<16xf32>
        %select_n3A_875 = arith.select %eq3A_869, %broadcast_in_dim3A_874, %select_n3A_825 : vector<16xi1>, vector<16xf32>
        %swap3A = arith.index_cast %mul3A_77 : i32 to index
        %swap3A_876 = tpu.vector_load %arg8[%swap3A] {strides = array<i32>} : memref<256xf32, #tpu.memory_space<vmem>>, vector<16xf32>,
        tpu.vector_store %arg8[%swap3A], %select_n3A_875 {strides = array<i32>} : memref<256xf32, #tpu.memory_space<vmem>>, vector<16xf32>,
      }
      %scan3A_74 = arith.constant 14 : i32
      "tpu.region"() ({
        %run_scoped3A = tpu.sem_alloc : memref<!tpu.dma_semaphore, #tpu.memory_space<semaphore_mem>>
        %dma_start3A_75 = arith.constant 0 : i32
        %dma_start3A_76 = tpu.memref_slice %arg4[%add3A_9, %dma_start3A_75] : memref<16384x256xf32, #tpu.memory_space<hbm>> -> memref<1x256xf32, #tpu.memory_space<hbm>>
        %dma_start3A_77 = tpu.memref_squeeze %dma_start3A_76 : memref<1x256xf32, #tpu.memory_space<hbm>> -> memref<256xf32, #tpu.memory_space<hbm>>
        %dma_start3A_78 = arith.constant 0 : i32
        %dma_start3A_79 = tpu.memref_slice %arg4[%add3A_9, %dma_start3A_78] : memref<16384x256xf32, #tpu.memory_space<hbm>> -> memref<1x256xf32, #tpu.memory_space<hbm>>
        %dma_start3A_80 = tpu.memref_squeeze %dma_start3A_79 : memref<1x256xf32, #tpu.memory_space<hbm>> -> memref<256xf32, #tpu.memory_space<hbm>>
        tpu.enqueue_dma source(%arg8 : memref<256xf32, #tpu.memory_space<vmem>>) target(%dma_start3A_80 : memref<256xf32, #tpu.memory_space<hbm>>) target_semaphore(%run_scoped3A : memref<!tpu.dma_semaphore, #tpu.memory_space<semaphore_mem>>)
        %dma_wait3A_81 = arith.constant 0 : i32
        %dma_wait3A_82 = tpu.memref_slice %arg4[%add3A_9, %dma_wait3A_81] : memref<16384x256xf32, #tpu.memory_space<hbm>> -> memref<1x256xf32, #tpu.memory_space<hbm>>
        %dma_wait3A_83 = tpu.memref_squeeze %dma_wait3A_82 : memref<1x256xf32, #tpu.memory_space<hbm>> -> memref<256xf32, #tpu.memory_space<hbm>>
        %dma_wait3A_84 = arith.constant 0 : i32
        %dma_wait3A_85 = tpu.memref_slice %arg4[%add3A_9, %dma_wait3A_84] : memref<16384x256xf32, #tpu.memory_space<hbm>> -> memref<1x256xf32, #tpu.memory_space<hbm>>
        %dma_wait3A_86 = tpu.memref_squeeze %dma_wait3A_85 : memref<1x256xf32, #tpu.memory_space<hbm>> -> memref<256xf32, #tpu.memory_space<hbm>>
        tpu.wait_dma2 semaphore(%run_scoped3A : memref<!tpu.dma_semaphore, #tpu.memory_space<semaphore_mem>>) src(%arg8 : memref<256xf32, #tpu.memory_space<vmem>>) dst(%dma_wait3A_86 : memref<256xf32, #tpu.memory_space<hbm>>)
        tpu.yield
      }) : () -> ()
    }
    %scan3A_5 = arith.constant 512 : i32
    return
  }
}

module attributes {stable_mosaic.version = 14 : i64} {
  func.func @_logsig_body(%arg0: i32, %arg1: memref<1024x256xf32, #tpu.memory_space<vmem>>, %arg2: memref<1024xf32, #tpu.memory_space<vmem>>) attributes {dimension_semantics = [#tpu.dimension_semantics<arbitrary>], iteration_bounds = array<i64: 16>, scalar_prefetch = 0 : i64, scratch_operands = 0 : i64, tpu.core_type = #tpu.core_type<tc>, window_params = [{transform_indices = @transform_0, window_bounds = array<i64: 1024, 256>}, {transform_indices = @transform_1, window_bounds = array<i64: 1024>}]} {
    %get3A = arith.constant 0 : index
    %get3A_0 = arith.constant 0 : index
    %get3A_1 = vector.load %arg1[%get3A, %get3A_0] : memref<1024x256xf32, #tpu.memory_space<vmem>>, vector<1024x256xf32>
    %iota3A = tpu.iota {dimensions = array<i32: 1>} : vector<1024x256xi32>
    %le3A = arith.constant 20 : i32
    %le3A_2 = vector.broadcast %le3A : i32 to vector<1024x256xi32>
    %le3A_3 = arith.cmpi sle, %iota3A, %le3A_2 : vector<1024x256xi32>
    %jit3A = arith.constant 1.000000e+00 : f32
    %jit3A_4 = arith.constant -1.000000e+00 : f32
    %broadcast_in_dim3A = vector.broadcast %jit3A : f32 to vector<1024x256xf32>
    %broadcast_in_dim3A_5 = vector.broadcast %jit3A_4 : f32 to vector<1024x256xf32>
    %select_n3A = arith.select %le3A_3, %broadcast_in_dim3A, %broadcast_in_dim3A_5 : vector<1024x256xi1>, vector<1024x256xf32>
    %mul3A = arith.mulf %get3A_1, %select_n3A : vector<1024x256xf32>
    %min3A = arith.constant 0.000000e+00 : f32
    %min3A_6 = vector.broadcast %min3A : f32 to vector<1024x256xf32>
    %min3A_7 = arith.minimumf %mul3A, %min3A_6 : vector<1024x256xf32>
    %abs3A = math.absf %mul3A : vector<1024x256xf32>
    %neg3A = arith.constant 0.000000e+00 : f32
    %neg3A_8 = vector.broadcast %neg3A : f32 to vector<1024x256xf32>
    %neg3A_9 = arith.subf %neg3A_8, %abs3A : vector<1024x256xf32>
    %exp3A = math.exp %neg3A_9 : vector<1024x256xf32>
    %log1p3A = math.log1p %exp3A : vector<1024x256xf32>
    %sub3A = arith.subf %min3A_7, %log1p3A : vector<1024x256xf32>
    %ge3A = arith.constant 1 : i32
    %ge3A_10 = vector.broadcast %ge3A : i32 to vector<1024x256xi32>
    %ge3A_11 = arith.cmpi sge, %iota3A, %ge3A_10 : vector<1024x256xi32>
    %le3A_12 = arith.constant 220 : i32
    %le3A_13 = vector.broadcast %le3A_12 : i32 to vector<1024x256xi32>
    %le3A_14 = arith.cmpi sle, %iota3A, %le3A_13 : vector<1024x256xi32>
    %and3A = arith.andi %ge3A_11, %le3A_14 : vector<1024x256xi1>
    %jit3A_15 = arith.constant 0.000000e+00 : f32
    %broadcast_in_dim3A_16 = vector.broadcast %jit3A_15 : f32 to vector<1024x256xf32>
    %select_n3A_17 = arith.select %and3A, %sub3A, %broadcast_in_dim3A_16 : vector<1024x256xi1>, vector<1024x256xf32>
    %reduce_sum3A = arith.constant dense<0.000000e+00> : vector<1024xf32>
    %reduce_sum3A_18 = vector.multi_reduction <add>, %select_n3A_17, %reduce_sum3A [1] : vector<1024x256xf32> to vector<1024xf32>
    %neg3A_19 = arith.constant 0.000000e+00 : f32
    %neg3A_20 = vector.broadcast %neg3A_19 : f32 to vector<1024xf32>
    %neg3A_21 = arith.subf %neg3A_20, %reduce_sum3A_18 : vector<1024xf32>
    %swap3A = arith.constant 0 : index
    %swap3A_22 = vector.load %arg2[%swap3A] : memref<1024xf32, #tpu.memory_space<vmem>>, vector<1024xf32>
    tpu.vector_store %arg2[%swap3A], %neg3A_21 {strides = array<i32>} : memref<1024xf32, #tpu.memory_space<vmem>>, vector<1024xf32>,
    return
  }
  func.func @transform_0(%arg0: i32) -> (i32, i32) {
    %c0_i32 = arith.constant 0 : i32
    %c0_i32_0 = arith.constant 0 : i32
    return %arg0, %c0_i32 : i32, i32
  }
  func.func @transform_1(%arg0: i32) -> i32 {
    %c0_i32 = arith.constant 0 : i32
    return %arg0 : i32
  }
}

</mosaic_0001>

<sc_bundles>
// kernel: kernel.4.cloned.1.call-start
scs
__scs_entry_jumppad:
0x0: {  	(pc) =	sbr.rel $0x88, $3  }
0x1: {  	(tag) =	ssettag $0x0;
	lr =	simm.s32 $0x1  }
0x2: {  	[smem:$0x3F9D] =	sst lr;
	_ =	strace $0xD0000000  }
0x3: {  	_ = 	snop  }
0x4: {  	_ = 	snop  }
0x5: {  	_ = 	snop  }
0x6: {  	_ = 	snop  }
0x7: {  	_ = 	snop  }
__scs_overlays_trampoline_lowered:
0x8: {  	[smem:$0x3FAC] =	sst s0  }
0x9: {  	[smem:$0x3FAD] =	sst s1  }
0xa: {  	[smem:$0x3FAE] =	sst s2  }
0xb: {  	[smem:$0x3FAF] =	sst s3  }
0xc: {  	[smem:$0x3FB0] =	sst s4  }
0xd: {  	[smem:$0x3FB1] =	sst s5  }
0xe: {  	[smem:$0x3FB2] =	sst s6  }
0xf: {  	[smem:$0x3FB3] =	sst s7  }
0x10: {  	[smem:$0x3FB4] =	sst s8  }
0x11: {  	[smem:$0x3FB5] =	sst s9;
	s0 =	simm.s32 @!p0 $0x0  }
0x12: {  	s1 =	sld [smem:$0x3F9B];
	s0 =	simm.s32 @p0 $0x1  }
0x13: {  	[smem:$0x3FB6] =	sst s0;
	s0 =	simm.s32 @!p1 $0x0  }
0x14: {  	s2 =	sld [smem:$0x3F9A];
	s0 =	simm.s32 @p1 $0x1  }
0x15: {  	[smem:$0x3FB7] =	sst s0;
	s0 =	simm.s32 @!p2 $0x0  }
0x16: {  	s3 =	sld [smem:$0x3FDB];
	s0 =	simm.s32 @p2 $0x1  }
0x17: {  	s4 =	simm.s32 $0x1BF5;
	[smem:$0x3FB9] =	sst s0  }
0x18: {  	s0 =	sld [smem:$0x3F9C];
	_ =	swait.ge [sflag:s4], $0x0  }
0x19: {  	s7 =	sld [smem:$0x3F9D]  }
0x1a: {  	s8 =	sadd.s32 $0xFFFFE003, lr  }
0x1b: {  	s9 =	sadd.s32 $0xFFFFFEF7, lr;
	s5 =	simm.s32 $0xFFFFFFFF;
	p2 =	slt.u32 s8, $0xFFFFF086  }
0x1c: {  	p1 =	slt.u32 s9, $0xF7A;
	s5 =	simm.s32 @!p2 $0x0  }
0x1d: {  	s5 =	simm.s32 @p1 $0x1;
	p0 =	seq.s32 s7, s2  }
0x1e: {  	s7 =	smul.u32 @!p0 $0xF7A, s2;
	p2 =	seq.s32 @!p0 s5, $0x0  }
0x1f: {  	s9 =	smul.u32 $0xF7A, s1;
	s8 =	simm.s32 @!p0 $0x1BF5;
	p2 =	por !p2, p0  }
0x20: {  	[sflag:s8] =	ssyncset.s32 @!p0 $0xFFFFF086;
	s6 =	sadd.s32 @!p0 s3, s7;
	s7 =	simm.s32 @!p0 $0x108  }
0x21: {  	s3 =	sadd.s32 s3, s9;
	s6 =	sadd.s32 @!p0 $0x88, s6;
	s7 =	simm.s32 @p2 $0x1082  }
0x22: {  	[simem:s7], [sflag:s8] =	dma.local @!p0 [hbm:s6], $0xF7A  }
0x23: {  	s9 =	sor.u32 $0xD0000000, s2;
	s6 =	simm.s32 $0x108;
	_ =	swait.ge @!p0 [sflag:s8], $0x0  }
0x24: {  	s3 =	sadd.s32 $0x88, s3;
	s6 =	simm.s32 @!p1 $0x1082;
	[sflag:s4] =	ssyncset.s32 $0xFFFFF086  }
0x25: {  	[simem:s6], [sflag:s4] =	dma.local [hbm:s3], $0xF7A  }
0x26: {  	[smem:$0x3F9D] =	sst s1;
	(tag) =	ssettag s2;
	_ =	strace s9  }
0x27: {  	s1 =	sld [smem:$0x3FAD]  }
0x28: {  	s2 =	sld [smem:$0x3FAE]  }
0x29: {  	s4 =	sld [smem:$0x3FB0]  }
0x2a: {  	p0 =	seq.s32 s5, $0x0;
	s5 =	sld [smem:$0x3FB1]  }
0x2b: {  	s6 =	sld [smem:$0x3FB2]  }
0x2c: {  	s7 =	sld [smem:$0x3FB3]  }
0x2d: {  	s3 =	simm.s32 $0x108;
	s8 =	sld [smem:$0x3FB4]  }
0x2e: {  	s3 =	simm.s32 @!p0 $0x1082;
	s9 =	sld [smem:$0x3FB5]  }
0x2f: {  	lr =	sadd.s32 s0, s3;
	s0 =	sld [smem:$0x3FAC]  }
0x30: {  	s3 =	sld [smem:$0x3FAF]  }
0x31: {  	[smem:$0x3FB8] =	sst s10  }
0x32: {  	s10 =	sld [smem:$0x3FB6];
	_ =	sdelay $0x3  }
0x33: {  	p0 =	seq.s32 s10, $0x1;
	s10 =	sld [smem:$0x3FB8];
	_ =	sdelay $0x3  }
0x34: {  	[smem:$0x3FB8] =	sst s10  }
0x35: {  	s10 =	sld [smem:$0x3FB7];
	_ =	sdelay $0x3  }
0x36: {  	p1 =	seq.s32 s10, $0x1;
	s10 =	sld [smem:$0x3FB8];
	_ =	sdelay $0x3  }
0x37: {  	[smem:$0x3FB8] =	sst s10  }
0x38: {  	s10 =	sld [smem:$0x3FB9]  }
0x39: {  	_ = 	snop;
	(pc) =	sbr.ind lr, $3  }
0x3a: {  	_ = 	snop  }
0x3b: {  	_ = 	snop  }
0x3c: {  	p2 =	seq.s32 s10, $0x1;
	s10 =	sld [smem:$0x3FB8]  }
0x3d: {  	_ =	shalt  }
0x3e: {  	_ =	shalt  }
0x3f: {  	_ =	shalt  }
0x40: {  	_ =	shalt  }
0x41: {  	_ =	shalt  }
0x42: {  	_ =	shalt  }
0x43: {  	_ =	shalt  }
0x44: {  	_ =	shalt  }
0x45: {  	_ =	shalt  }
0x46: {  	_ =	shalt  }
0x47: {  	_ =	shalt  }
0x48: {  	_ =	shalt  }
0x49: {  	_ =	shalt  }
0x4a: {  	_ =	shalt  }
0x4b: {  	_ =	shalt  }
0x4c: {  	_ =	shalt  }
0x4d: {  	_ =	shalt  }
0x4e: {  	_ =	shalt  }
0x4f: {  	_ =	shalt  }
0x50: {  	_ =	shalt  }
0x51: {  	_ =	shalt  }
0x52: {  	_ =	shalt  }
0x53: {  	_ =	shalt  }
0x54: {  	_ =	shalt  }
0x55: {  	_ =	shalt  }
0x56: {  	_ =	shalt  }
0x57: {  	_ =	shalt  }
0x58: {  	_ =	shalt  }
0x59: {  	_ =	shalt  }
0x5a: {  	_ =	shalt  }
0x5b: {  	_ =	shalt  }
0x5c: {  	_ =	shalt  }
0x5d: {  	_ =	shalt  }
0x5e: {  	_ =	shalt  }
0x5f: {  	_ =	shalt  }
0x60: {  	_ =	shalt  }
0x61: {  	_ =	shalt  }
0x62: {  	_ =	shalt  }
0x63: {  	_ =	shalt  }
0x64: {  	_ =	shalt  }
0x65: {  	_ =	shalt  }
0x66: {  	_ =	shalt  }
0x67: {  	_ =	shalt  }
0x68: {  	_ =	shalt  }
0x69: {  	_ =	shalt  }
0x6a: {  	_ =	shalt  }
0x6b: {  	_ =	shalt  }
0x6c: {  	_ =	shalt  }
0x6d: {  	_ =	shalt  }
0x6e: {  	_ =	shalt  }
0x6f: {  	_ =	shalt  }
0x70: {  	_ =	shalt  }
0x71: {  	_ =	shalt  }
0x72: {  	_ =	shalt  }
0x73: {  	_ =	shalt  }
0x74: {  	_ =	shalt  }
0x75: {  	_ =	shalt  }
0x76: {  	_ =	shalt  }
0x77: {  	_ =	shalt  }
0x78: {  	_ =	shalt  }
0x79: {  	_ =	shalt  }
0x7a: {  	_ =	shalt  }
0x7b: {  	_ =	shalt  }
0x7c: {  	_ =	shalt  }
0x7d: {  	_ =	shalt  }
0x7e: {  	_ =	shalt  }
0x7f: {  	_ =	shalt  }
0x80: {  	_ =	shalt  }
0x81: {  	_ =	shalt  }
0x82: {  	_ =	shalt  }
0x83: {  	_ =	shalt  }
0x84: {  	_ =	shalt  }
0x85: {  	_ =	shalt  }
0x86: {  	_ =	shalt  }
0x87: {  	_ =	shalt  }
.Lfunc_end0:
.L_simem_size_0:
called_computation_lowered:
.L_overlay_start_0:
0x88: {  	s2 =	sld [smem:$0x3FD9]  }
0x89: {  	s3 =	sld [smem:$0x3FFE];
	_ =	sdelay $0x1  }
0x8a: {  	s1 =	srdreg.scid  }
0x8b: {  	s0 =	sand.u32 $0x1, s1  }
0x8c: {  	s17 =	sshll.u32 s0, $0xA;
	s2 =	sadd.s32 s3, s2  }
0x8d: {  	s2 =	sadd.s32 s2, s17  }
0x8e: {  	[smem:$0x3FC4] =	sst s2  }
0x8f: {  	_ = 	snop  }
0x90: {  	s2 =	sld [smem:$0x3FC6];
	(tm) =	ssettm $0x1  }
0x91: {  	s18 =	sld [smem:$0x3FFB];
	_ =	sdelay $0x3  }
0x92: {  	_ =	strace s18  }
0x93: {  	s3 =	sld [smem:$0x3FFC];
	_ =	sdelay $0x3  }
0x94: {  	_ =	strace s3  }
0x95: {  	s3 =	sld [smem:$0x3FFD];
	_ =	sdelay $0x3  }
0x96: {  	_ =	strace s3  }
0x97: {  	_ =	strace $0x8FFFFFFF  }
0x98: {  	s19 =	sld [smem:$0x3FDB];
	_ =	sdelay $0x1  }
0x99: {  	s4 =	simm.s32 $_scs_section_size  }
0x9a: {  	s5 =	simm.s32 $_size__tile_overlayer_lowered;
	s6 =	simm.s32 $_tile_overlayer_lowered  }
0x9b: {  	s22 =	simm.s32 $0x1BFF;
	s21 =	sshll.u32 s6, $0x1;
	s3 =	sadd.s32 s4, s19  }
0x9c: {  	s7 =	simm.s32 $0x0;
	s20 =	sshll.u32 s5, $0x1;
	s5 =	sadd.s32 s21, s3  }
0x9d: {  	[timem:s7], [sflag:s22] =	dma.local [hbm:s5], s20  }
0x9e: {  	_ =	swait.ge [sflag:s22], s20  }
0x9f: {  	s4 =	ssub.s32 $0x0, s20;
	[sflag:s22] =	ssyncset.done $0x0  }
0xa0: {  	[sflag:s22] =	ssyncadd.s32 s4;
	_ =	sdelay $0x1  }
0xa1: {  	s23 =	simm.s32 $0x1B8B  }
0xa2: {  	_ =	swait.ge [sflag:s23], $0x1  }
0xa3: {  	[sflag:s23] =	ssyncset.done $0x0  }
0xa4: {  	s25 =	simm.s32 $0x1B8E;
	s24 =	sld [smem:$0x3FFE];
	[sflag:s23] =	ssyncadd.s32 $0xFFFFFFFF  }
0xa5: {  	s26 =	simm.s32 $execute0_lowered;
	[smem:$0x3FD2] =	sst s25  }
0xa6: {  	s5 =	sshll.u32 s26, $0x1;
	_ =	strace $0x80000046;
	[dreg:$0x1] =	wrdreg $0xFFFFFFFF  }
0xa7: {  	s28 =	simm.s32 $_size_execute0_lowered;
	s3 =	sadd.s32 s3, s5;
	[dreg:$0x0] =	wrdreg $0x0  }
0xa8: {  	s5 =	sshll.u32 s28, $0x1;
	[dreg:$0x2] =	wrdreg s3  }
0xa9: {  	[dreg:$0x3] =	wrdreg s5  }
0xaa: {  	[dreg:$0x4] =	wrdreg $0xC0  }
0xab: {  	_ =	task [dreg:s7], $0x5FFFF  }
0xac: {  	[dreg:$0x1] =	wrdreg $0xFFFFFFFF  }
0xad: {  	[dreg:$0x0] =	wrdreg $0x60  }
0xae: {  	[dreg:$0x2] =	wrdreg s24  }
0xaf: {  	[dreg:$0x3] =	wrdreg s2  }
0xb0: {  	[dreg:$0x4] =	wrdreg $0x9  }
0xb1: {  	_ =	task.clear_ibuf [dreg:s7], $0x5FFFF;
	_ =	strace $0x90000046  }
0xb2: {  	s29 =	simm.s32 $0x9;
	_ =	strace $0x80000048  }
0xb3: {  	_ =	swait.ge [sflag:s29], $0x1  }
0xb4: {  	[sflag:s29] =	ssyncadd.s32 $0xFFFFFFFF  }
0xb5: {  	_ =	strace $0x90000048  }
0xb6: {  	_ =	sfence  }
0xb7: {  	s30 =	sld [smem:$0x0];
	_ =	sdelay $0x2  }
0xb8: {  	s31 =	sshll.u32 s1, $0xD;
	s1 =	sshrl.u32 s1, $0x2  }
0xb9: {  	s3 =	sand.u32 $0x4000, s31;
	s1 =	sadd.s32 s1, s30  }
0xba: {  	s0 =	sor.u32 s3, s0;
	s1 =	sshll.u32 s1, $0x11  }
0xbb: {  	s0 =	sor.u32 s1, s0  }
0xbc: {  	s0 =	sadd.s32 $0x8F2B, s0  }
0xbd: {  	[sflag:s0] =	ssyncadd.remote.s32 $0x1  }
0xbe: {  	_ =	sfence.sel $0xFFFF  }
0xbf: {  	[dreg:$0x0] =	wrdreg $0xFFFFFFFF;
	(pc) =	sbr.abs _section_cstart, $3  }
0xc0: {  	[dreg:$0x1] =	wrdreg $0xFFFFFFFF  }
0xc1: {  	_ =	task.clear_ibuf [dreg:s7], $0x2FFFF;
	_ =	strace $0x9FFFFFFF  }
0xc2: {  	(tm) =	ssettm $0x7FFFFFFF  }
0xc3: {  	_ =	shalt  }
tec
execute0_lowered:
.L_overlay_start_1:
0x0: {  	(tag) =	ssettag $0x1  }
0x1: {  	s5 =	rddreg [dreg:$0x0]  }
0x2: {  	s1 =	rddreg [dreg:$0x1]  }
0x3: {  	s0 =	rddreg [dreg:$0x2];
	s2 =	simm.s32 $0x0;
	s3 =	srdreg.scid  }
0x4: {  	s10 =	simm.s32 $0x70;
	s11 =	simm.s32 $0x100;
	s12 =	simm.s32 $0x3900  }
0x5: {  	s13 =	simm.s32 $0x1;
	s14 =	simm.s32 $0x400;
	s15 =	simm.s32 $0x7100  }
0x6: {  	vm0 =	vmmov $0x1;
	vm1 =	vmmov $0x3;
	vm2 =	vmmov $0x7;
	[smem:$0x7FF] =	sst s2;
	s6 =	sand.u32 $0x1, s3;
	s4 =	sadd.s32 $0x600, s5  }
0x7: {  	vm3 =	vmmov $0xf;
	vm4 =	vmmov $0x1f;
	vm5 =	vmmov $0x3f;
	s3 =	stileid.u32;
	s5 =	sadd.s32 $0x80600, s5;
	s7 =	ssub.s32 $0x2, s6  }
0x8: {  	vm6 =	vmmov $0x7f;
	vm7 =	vmmov $0xff;
	vm8 =	vmmov $0x1ff;
	s9 =	sshll.u32 s3, $0xA;
	s6 =	sshll.u32 s6, $0x9;
	s8 =	sshrl.u32 s7, $0x1  }
0x9: {  	vm9 =	vmmov $0x3ff;
	vm10 =	vmmov $0x7ff;
	vm11 =	vmmov $0xfff;
	_ =	strace $0x80000047;
	s6 =	sor.u32 s6, s9;
	s7 =	ssub.s32 s7, s8  }
0xa: {  	vm12 =	vmmov $0x1fff;
	vm13 =	vmmov $0x3fff;
	vm14 =	vmmov $0x7fff;
	s9 =	simm.s32 $0x80;
	s8 =	simm.s32 $0x2;
	s7 =	smax.u32 s7, $0x1  }
.LBB2_1:
0xb: {  	s16 =	simm.s32 $0x0  }
.LBB2_2:
0xc: {  	s17 =	sadd.s32 s6, s16;
	s18 =	sshll.u32 s16, $0x5  }
0xd: {  	s17 =	sshll.u32 s17, $0x5;
	s18 =	sand.u32 $0x60, s18  }
0xe: {  	s19 =	sand.u32 $0x7FF80, s17;
	s18 =	sadd.s32 s4, s18  }
0xf: {  	s19 =	sadd.s32 s19, s18;
	s18 =	simm.s32 $0x0  }
0x10: {  	[tilespmem:s18], [sflag:$0x2] =	stream.linear.gather [hbm4b:s19+s18], $0x80, $0x38;
	[tilespmem:$0x7200] =	vst v63  }
0x11: {  	_ =	swait.ge [sflag:s8], $0x80  }
0x12: {  	[sflag:s8] =	ssyncset.done $0x0  }
0x13: {  	s19 =	sadd.s32 $0x10, s19;
	[sflag:s8] =	ssyncadd.s32 $0xFFFFFF80  }
0x14: {  	[tilespmem:s9], [sflag:$0x2] =	stream.linear.gather [hbm4b:s19+s18], $0x80, $0x38;
	[tilespmem:$0x7200] =	vst v63  }
0x15: {  	_ =	swait.ge [sflag:s8], $0x80  }
0x16: {  	[sflag:s8] =	ssyncset.done $0x0  }
0x17: {  	[sflag:s8] =	ssyncadd.s32 $0xFFFFFF80  }
0x18: {  	[tilespmem:s11], [sflag:$0x1] =	stream.indirect.gather [hbm4b:s1+s10], $0x80, s18, s10, $0xb8;
	[tilespmem:$0x7200] =	vst v63  }
0x19: {  	_ = 	snop  }
0x1a: {  	[tilespmem:s12], [sflag:$0x1] =	stream.indirect.gather [hbm4b:s1+s10], $0x80, s9, s10, $0xb8;
	[tilespmem:$0x7200] =	vst v63  }
0x1b: {  	_ =	swait.ge [sflag:s13], $0x3800  }
0x1c: {  	[sflag:s13] =	ssyncset.done $0x0  }
0x1d: {  	[sflag:s13] =	ssyncadd.s32 $0xFFFFC800  }
0x1e: {  	_ =	swait.ge [sflag:s13], $0x3800  }
0x1f: {  	[sflag:s13] =	ssyncset.done $0x0  }
0x20: {  	[sflag:s13] =	ssyncadd.s32 $0xFFFFC800  }
0x21: {  	v6 =	vld [tilespmem:$0x100]  }
0x22: {  	v7 =	vld [tilespmem:$0x110]  }
0x23: {  	v5 =	vld [tilespmem:$0x120]  }
0x24: {  	v4 =	vld [tilespmem:$0x130]  }
0x25: {  	v3 =	vld [tilespmem:$0x140]  }
0x26: {  	v2 =	vld [tilespmem:$0x150]  }
0x27: {  	v1 =	vld [tilespmem:$0x160]  }
0x28: {  	s19 =	simm.s32 $0x500;
	v63 =	vld [tilespmem:$0x170]  }
0x29: {  	v10 =	vld [tilespmem:s19+$0x370]  }
0x2a: {  	v14 =	vld [tilespmem:s19+$0x360]  }
0x2b: {  	v61 =	vld [tilespmem:s19+$0x3C0]  }
0x2c: {  	v32 =	vld [tilespmem:s19+$0x270]  }
0x2d: {  	v24 =	vld [tilespmem:s19+$0x350]  }
0x2e: {  	v9 =	vld [tilespmem:s19+$0x3B0]  }
0x2f: {  	v33 =	vld [tilespmem:s19+$0x1F0]  }
0x30: {  	v34 =	vld [tilespmem:s19+$0x260]  }
0x31: {  	v25 =	vld [tilespmem:s19+$0x340]  }
0x32: {  	v11 =	vld [tilespmem:s19+$0x3A0]  }
0x33: {  	v35 =	vld [tilespmem:s19+$0x1E0]  }
0x34: {  	v36 =	vld [tilespmem:s19+$0x250]  }
0x35: {  	v12 =	vld [tilespmem:s19+$0x2C0]  }
0x36: {  	v21 =	vld [tilespmem:s19+$0x330]  }
0x37: {  	v27 =	vld [tilespmem:s19+$0x380]  }
0x38: {  	v37 =	vld [tilespmem:s19+$0x390]  }
0x39: {  	v18 =	vld [tilespmem:s19+$0xF0]  }
0x3a: {  	v38 =	vld [tilespmem:s19+$0x1D0]  }
0x3b: {  	v39 =	vld [tilespmem:s19+$0x240]  }
0x3c: {  	v13 =	vld [tilespmem:s19+$0x2B0]  }
0x3d: {  	v23 =	vld [tilespmem:s19+$0x320]  }
0x3e: {  	v15 =	vld [tilespmem:s19+$0x70]  }
0x3f: {  	v31 =	vld [tilespmem:s19+$0xE0]  }
0x40: {  	v40 =	vld [tilespmem:s19+$0x1C0]  }
0x41: {  	v41 =	vld [tilespmem:s19+$0x230]  }
0x42: {  	v29 =	vld [tilespmem:s19+$0x2A0]  }
0x43: {  	v26 =	vld [tilespmem:s19+$0x300]  }
0x44: {  	v42 =	vld [tilespmem:s19+$0x310]  }
0x45: {  	v30 =	vld [tilespmem:s19+$0x60]  }
0x46: {  	v43 =	vld [tilespmem:s19+$0xD0]  }
0x47: {  	v16 =	vld [tilespmem:s19+$0x140]  }
0x48: {  	v44 =	vld [tilespmem:s19+$0x1B0]  }
0x49: {  	v45 =	vld [tilespmem:s19+$0x220]  }
0x4a: {  	v46 =	vld [tilespmem:s19+$0x280]  }
0x4b: {  	v47 =	vld [tilespmem:s19+$0x290]  }
0x4c: {  	v22 =	vld [tilespmem:s19+$0xFFFFFF70]  }
0x4d: {  	v48 =	vld [tilespmem:s19+$0x50]  }
0x4e: {  	v49 =	vld [tilespmem:s19+$0xC0]  }
0x4f: {  	v17 =	vld [tilespmem:s19+$0x130]  }
0x50: {  	v50 =	vld [tilespmem:s19+$0x1A0]  }
0x51: {  	v51 =	vld [tilespmem:s19+$0x200]  }
0x52: {  	v52 =	vld [tilespmem:s19+$0x210]  }
0x53: {  	v28 =	vld [tilespmem:s19+$0xFFFFFEF0]  }
0x54: {  	v19 =	vld [tilespmem:s19+$0xFFFFFF60]  }
0x55: {  	v53 =	vld [tilespmem:s19+$0x40]  }
0x56: {  	v54 =	vld [tilespmem:s19+$0xB0]  }
0x57: {  	v20 =	vld [tilespmem:s19+$0x120]  }
0x58: {  	v55 =	vld [tilespmem:s19+$0x180]  }
0x59: {  	v56 =	vld [tilespmem:s19+$0x190]  }
0x5a: {  	v58 =	vld [tilespmem:s19+$0x30];
	v26 =	vmul.f32 v26, v6  }
0x5b: {  	v42 =	vmul.f32 v42, v7;
	v57 =	vmul.f32 v23, v5;
	v23 =	vld [tilespmem:s19+$0xFFFFFF50]  }
0x5c: {  	v60 =	vmul.f32 v21, v4;
	v21 =	vld [tilespmem:s19+$0xFFFFFFC0];
	v59 =	vmul.f32 v24, v2  }
0x5d: {  	v24 =	vld [tilespmem:s19+$0xFFFFFDF0];
	v51 =	vmul.f32 v51, v6;
	v52 =	vmul.f32 v52, v7  }
0x5e: {  	v55 =	vmul.f32 v55, v6;
	v56 =	vmul.f32 v56, v7;
	v42 =	vadd.f32 v42, v26;
	v26 =	vld [tilespmem:s19+$0xFFFFFEE0]  }
0x5f: {  	v45 =	vmul.f32 v45, v5;
	v51 =	vadd.f32 v52, v51;
	v52 =	vld [tilespmem:s19+$0xFFFFFF40]  }
0x60: {  	v27 =	vmul.f32 v27, v6;
	v37 =	vmul.f32 v37, v7;
	v55 =	vadd.f32 v56, v55;
	v56 =	vld [tilespmem:s19+$0x80]  }
0x61: {  	v50 =	vmul.f32 v50, v5;
	v46 =	vmul.f32 v46, v6;
	v42 =	vadd.f32 v57, v42;
	v57 =	vld [tilespmem:s19+$0xA0]  }
0x62: {  	v47 =	vmul.f32 v47, v7;
	v0 =	vadd.f32 v37, v27;
	v45 =	vadd.f32 v45, v51;
	v51 =	vld [tilespmem:s19+$0x90]  }
0x63: {  	v25 =	vmul.f32 v25, v3;
	v50 =	vadd.f32 v50, v55;
	v55 =	vld [tilespmem:s19+$0xFFFFFFB0]  }
0x64: {  	v14 =	vmul.f32 v14, v1;
	[tilespmem:$0x1FFE0] =	vst v0;
	v0 =	vadd.f32 v47, v46;
	v46 =	vld [tilespmem:s19+$0xFFFFFFA0];
	v42 =	vadd.f32 v60, v42  }
0x65: {  	v41 =	vmul.f32 v41, v4;
	v62 =	vmul.f32 v10, v63;
	v47 =	vld [tilespmem:s19+$0xFFFFFF20]  }
0x66: {  	v44 =	vmul.f32 v44, v4;
	v39 =	vmul.f32 v39, v3;
	v60 =	vld [tilespmem:s19+$0x100];
	v25 =	vadd.f32 v25, v42  }
0x67: {  	v36 =	vmul.f32 v36, v2;
	v38 =	vmul.f32 v38, v2;
	v10 =	vadd.f32 v41, v45;
	v41 =	vld [tilespmem:s19+$0x20]  }
0x68: {  	v34 =	vmul.f32 v34, v1;
	v50 =	vadd.f32 v44, v50;
	v44 =	vld [tilespmem:s19+$0xFFFFFD70];
	v59 =	vadd.f32 v59, v25  }
0x69: {  	v35 =	vmul.f32 v35, v1;
	v32 =	vmul.f32 v32, v63;
	v45 =	vld [tilespmem:s19+$0x0]  }
0x6a: {  	v33 =	vmul.f32 v33, v63;
	v8 =	vmul.f32 v11, v5;
	v42 =	vld [tilespmem:s19+$0x110];
	v14 =	vadd.f32 v14, v59  }
0x6b: {  	v43 =	vmul.f32 v43, v2;
	v31 =	vmul.f32 v31, v1;
	v37 =	vadd.f32 v39, v10;
	v39 =	vld [tilespmem:s19+$0xFFFFFDE0]  }
0x6c: {  	v13 =	vmul.f32 v13, v4;
	v25 =	vld [tilespmem:s19+$0xFFFFFED0];
	v27 =	vadd.f32 v62, v14;
	v14 =	vmul.f32 v40, v3  }
0x6d: {  	v30 =	vmul.f32 v30, v1;
	v16 =	vmul.f32 v16, v3;
	v36 =	vadd.f32 v36, v37;
	v37 =	vld [tilespmem:s19+$0x10]  }
0x6e: {  	v59 =	vmul.f32 v51, v7;
	v51 =	vld [tilespmem:s19+$0xFFFFFEC0];
	v62 =	vmul.f32 v57, v5;
	v40 =	vadd.f32 v14, v50  }
0x6f: {  	v57 =	vmul.f32 v45, v6;
	v45 =	vld [tilespmem:s19+$0xFFFFFF00];
	v14 =	vmul.f32 v56, v6  }
0x70: {  	v17 =	vmul.f32 v17, v4;
	v11 =	vmul.f32 v60, v6;
	v38 =	vadd.f32 v38, v40;
	v40 =	vld [tilespmem:s19+$0xFFFFFF30]  }
0x71: {  	v34 =	vadd.f32 v34, v36;
	v50 =	vadd.f32 v59, v14;
	v59 =	vmul.f32 v49, v3;
	v49 =	vld [tilespmem:s19+$0xFFFFFC60]  }
0x72: {  	v42 =	vmul.f32 v42, v7;
	v37 =	vmul.f32 v37, v7;
	v35 =	vadd.f32 v35, v38;
	v38 =	vld [tilespmem:s19+$0xFFFFFC70]  }
0x73: {  	v56 =	vmul.f32 v54, v4;
	v10 =	vadd.f32 v62, v50;
	v50 =	vadd.f32 v32, v34;
	v34 =	vld [tilespmem:s19+$0xFFFFFD60]  }
0x74: {  	v41 =	vmul.f32 v41, v5;
	v32 =	vadd.f32 v37, v57;
	v37 =	vld [tilespmem:s19+$0xFFFFFEB0];
	v57 =	vmul.f32 v58, v4  }
0x75: {  	v58 =	vmul.f32 v18, v63;
	v18 =	vadd.f32 v42, v11;
	v11 =	vld [tilespmem:s19+$0xFFFFFEA0];
	v36 =	vadd.f32 v56, v10  }
0x76: {  	v24 =	vmul.f32 v24, v63;
	v60 =	vmul.f32 v12, v3;
	v32 =	vadd.f32 v41, v32;
	v41 =	vld [tilespmem:s19+$0xFFFFFF10]  }
0x77: {  	v45 =	vmul.f32 v45, v6;
	v35 =	vadd.f32 v33, v35;
	v33 =	vld [tilespmem:s19+$0xFFFFFDD0];
	v36 =	vadd.f32 v59, v36  }
0x78: {  	v62 =	vmul.f32 v9, v4;
	v9 =	vmul.f32 v53, v3;
	v59 =	vld [tilespmem:s19+$0xFFFFFE90];
	v32 =	vadd.f32 v57, v32  }
0x79: {  	v53 =	vmul.f32 v15, v63;
	v15 =	vmul.f32 v29, v5;
	v36 =	vadd.f32 v43, v36;
	v43 =	vld [tilespmem:s19+$0xFFFFFE80]  }
0x7a: {  	v10 =	vmul.f32 v48, v2;
	v56 =	vmul.f32 v28, v63;
	v48 =	vld [tilespmem:s19+$0xFFFFFD40];
	v32 =	vadd.f32 v9, v32  }
0x7b: {  	v57 =	vld [tilespmem:s19+$0xFFFFFDC0];
	v11 =	vmul.f32 v11, v5;
	v41 =	vmul.f32 v41, v7;
	v29 =	vadd.f32 v31, v36  }
0x7c: {  	v31 =	vld [tilespmem:s19+$0xFFFFFF80];
	v32 =	vadd.f32 v10, v32;
	v10 =	vmul.f32 v47, v5;
	v36 =	vmul.f32 v33, v2  }
0x7d: {  	v47 =	vld [tilespmem:s19+$0xFFFFFC50];
	v42 =	vmul.f32 v59, v7;
	v54 =	vadd.f32 v58, v29;
	v58 =	vmul.f32 v26, v1  }
0x7e: {  	v59 =	vld [tilespmem:s19+$0xFFFFFDB0];
	v30 =	vadd.f32 v30, v32;
	v9 =	vmul.f32 v43, v6;
	v43 =	vmul.f32 v22, v63  }
0x7f: {  	v29 =	vld [tilespmem:s19+$0xFFFFFF90];
	v22 =	vadd.f32 v41, v45;
	v41 =	vmul.f32 v19, v1;
	v19 =	vmul.f32 v20, v5  }
0x80: {  	v32 =	vld [tilespmem:s19+$0xFFFFFD30];
	v20 =	vmul.f32 v21, v3;
	v21 =	vmul.f32 v52, v3;
	v28 =	vadd.f32 v42, v9  }
0x81: {  	v52 =	vld [tilespmem:s19+$0xFFFFFE00];
	v22 =	vadd.f32 v10, v22;
	v9 =	vmul.f32 v23, v2;
	v23 =	vmul.f32 v37, v4  }
0x82: {  	v45 =	vld [tilespmem:s19+$0xFFFFFD50];
	v10 =	vmul.f32 v25, v2;
	v26 =	vadd.f32 v11, v28;
	v28 =	vmul.f32 v40, v4  }
0x83: {  	v37 =	vld [tilespmem:s19+$0xFFFFFD80];
	v25 =	vmul.f32 v38, v63;
	v33 =	vmul.f32 v47, v2  }
0x84: {  	v38 =	vmul.f32 v48, v3;
	v47 =	vmul.f32 v59, v4;
	v40 =	vld [tilespmem:s19+$0xFFFFFD90];
	v22 =	vadd.f32 v28, v22  }
0x85: {  	v42 =	vld [tilespmem:s19+$0xFFFFFC00];
	v23 =	vadd.f32 v23, v26;
	v26 =	vmul.f32 v31, v6;
	v28 =	vmul.f32 v29, v7  }
0x86: {  	v30 =	vadd.f32 v53, v30;
	v48 =	vmul.f32 v52, v6;
	v29 =	vmul.f32 v51, v3;
	v51 =	vld [tilespmem:s19+$0xFFFFFDA0]  }
0x87: {  	v31 =	vadd.f32 v21, v22;
	v26 =	vadd.f32 v28, v26;
	v28 =	vmul.f32 v39, v1;
	v39 =	vld [tilespmem:s19+$0xFFFFFE10]  }
0x88: {  	v37 =	vmul.f32 v37, v6;
	v29 =	vadd.f32 v29, v23;
	v23 =	vmul.f32 v46, v5;
	v46 =	vld [tilespmem:s19+$0xFFFFFD00]  }
0x89: {  	v22 =	vmul.f32 v44, v63;
	v40 =	vmul.f32 v40, v7;
	v11 =	vadd.f32 v9, v31;
	v9 =	vld [tilespmem:s19+$0xFFFFFD10]  }
0x8a: {  	[tilespmem:$0x1FFF0] =	vst v8;
	v44 =	vadd.f32 v10, v29;
	v31 =	vmul.f32 v34, v1;
	v34 =	vmul.f32 v45, v2;
	v45 =	vld [tilespmem:s19+$0xFFFFFC10]  }
0x8b: {  	(xrf2) =	vadd.scan.msk.f32 $0xffff, v27;
	v21 =	vmul.f32 v55, v4;
	v29 =	vmul.f32 v49, v1;
	v10 =	vadd.f32 v41, v11;
	v41 =	vld [tilespmem:s19+$0xFFFFFD20]  }
0x8c: {  	(xrf2) =	vadd.scan.msk.f32 $0xffff, v50;
	v11 =	vadd.f32 v40, v37;
	v27 =	vadd.f32 v58, v44;
	v58 =	vmul.f32 v51, v5;
	v44 =	vld [tilespmem:s19+$0xFFFFFC80]  }
0x8d: {  	(xrf2) =	vadd.scan.msk.f32 $0xffff, v35;
	v40 =	vmul.f32 v57, v3;
	v50 =	vmul.f32 v46, v6;
	v46 =	vld [tilespmem:s19+$0xFFFFFC90];
	v37 =	vadd.f32 v43, v10  }
0x8e: {  	s20 =	simm.s32 $0x40;
	(xrf2) =	vadd.scan.msk.f32 $0xffff, v54;
	v43 =	vld [tilespmem:s19+$0xFFFFFC20];
	v49 =	vadd.f32 v58, v11;
	v35 =	vadd.f32 v56, v27;
	v51 =	vmul.f32 v9, v7  }
.LBB2_3:
0x8f: {  	v52 =	vld [tilespmem:s19+$0xFFFFFC30];
	v23 =	vadd.f32 v23, v26  }
0x90: {  	v57 =	vld [tilespmem:s19+$0xFFFFFCA0];
	v14 =	vadd.f32 v15, v0;
	v47 =	vadd.f32 v47, v49  }
0x91: {  	v58 =	vld [tilespmem:s19+$0xFFFFFC40];
	v50 =	vadd.f32 v51, v50;
	v21 =	vadd.f32 v21, v23;
	v41 =	vmul.f32 v41, v5  }
0x92: {  	v59 =	vld [tilespmem:s19+$0xFFFFFCB0];
	v40 =	vadd.f32 v40, v47;
	v42 =	vmul.f32 v42, v6;
	v45 =	vmul.f32 v45, v7  }
0x93: {  	v9 =	vld [tilespmem:s19+$0xFFFFFE20];
	v39 =	vmul.f32 v39, v7;
	v32 =	vmul.f32 v32, v4;
	v41 =	vadd.f32 v41, v50  }
0x94: {  	v11 =	vld [tilespmem:s19+$0xFFFFFCC0];
	v43 =	vmul.f32 v43, v5;
	v44 =	vmul.f32 v44, v6;
	v42 =	vadd.f32 v45, v42  }
0x95: {  	v53 =	vld [tilespmem:s19+$0xFFFFFCD0];
	v46 =	vmul.f32 v46, v7;
	v36 =	vadd.f32 v36, v40;
	v8 =	vadd.f32 v32, v41  }
0x96: {  	v56 =	vld [tilespmem:s19+$0xFFFFFE40];
	v27, _, _ =	vpop (xrf2);
	(xrf2) =	vadd.scan.msk.f32 $0xffff, v30;
	v10 =	vmul.f32 v52, v4;
	v39 =	vadd.f32 v39, v48;
	v42 =	vadd.f32 v43, v42  }
0x97: {  	v51 =	vld [tilespmem:s19+$0xFFFFFE30];
	v48 =	vadd.f32 v46, v44;
	v50 =	vmul.f32 v57, v5;
	v38 =	vadd.f32 v38, v8  }
0x98: {  	v0 =	vld [tilespmem:$0x1FFE0];
	v52 =	vmul.f32 v58, v3;
	v28 =	vadd.f32 v28, v36;
	v42 =	vadd.f32 v10, v42  }
0x99: {  	v23 =	vld [tilespmem:s19+$0x150];
	v55 =	vmul.f32 v59, v4;
	v30, _, _ =	vpop (xrf2);
	(xrf2) =	vadd.scan.msk.f32 $0xffff, v37;
	v54 =	vadd.f32 v50, v48;
	v34 =	vadd.f32 v34, v38  }
0x9a: {  	v58 =	vld [tilespmem:s19+$0xFFFFFCE0];
	v41 =	vmul.f32 v9, v5;
	v28 =	vadd.f32 v24, v28;
	v57 =	vadd.f32 v52, v42  }
0x9b: {  	v59 =	vld [tilespmem:s19+$0xFFFFFE50];
	v32, _, _ =	vpop (xrf2);
	(xrf2) =	vadd.scan.msk.f32 $0xffff, v35;
	v36 =	vadd.f32 v55, v54;
	v8 =	vmul.f32 v11, v3;
	v31 =	vadd.f32 v31, v34  }
0x9c: {  	v45 =	vld [tilespmem:s19+$0xFFFFFCF0];
	v47 =	vmul.f32 v51, v4;
	v39 =	vadd.f32 v41, v39;
	v33 =	vadd.f32 v33, v57  }
0x9d: {  	v48 =	vmul.f32 v53, v2;
	v24, _, _ =	vpop (xrf2);
	(xrf2) =	vadd.scan.msk.f32 $0xffff, v28;
	v28 =	vadd.f32 v8, v36;
	v22 =	vadd.f32 v22, v31;
	v31 =	vld [tilespmem:s19+$0xFFFFFE60]  }
0x9e: {  	v50 =	vld [tilespmem:s19+$0xFFFFFFD0];
	v8 =	vadd.f32 v47, v39;
	v38 =	vmul.f32 v56, v3;
	v29 =	vadd.f32 v29, v33  }
0x9f: {  	v18 =	vadd.f32 v19, v18;
	v51 =	vmul.f32 v58, v1;
	v52 =	vld [tilespmem:s19+$0xFFFFFE70];
	v28 =	vadd.f32 v48, v28  }
0xa0: {  	v26 =	vmul.f32 v59, v2;
	v49, _, _ =	vpop (xrf2);
	(xrf2) =	vadd.scan.msk.f32 $0xffff, v22;
	v22 =	vadd.f32 v25, v29;
	v25 =	vadd.f32 v38, v8;
	v29 =	vld [tilespmem:s19+$0xFFFFFFE0]  }
0xa1: {  	v17 =	vadd.f32 v17, v18;
	v18 =	vld [tilespmem:s19+$0x2D0];
	v54 =	vmul.f32 v45, v63;
	v8 =	vadd.f32 v51, v28  }
0xa2: {  	v25 =	vadd.f32 v26, v25;
	v26 =	vmul.f32 v31, v1;
	v31 =	vld [tilespmem:s19+$0xFFFFFFF0]  }
0xa3: {  	v20 =	vadd.f32 v20, v21;
	v21 =	vmul.f32 v50, v2;
	v53, _, _ =	vpop (xrf2);
	(xrf2) =	vadd.scan.msk.f32 $0xffff, v22;
	v19 =	vadd.f32 v54, v8;
	v22 =	vld [tilespmem:s19+$0x160]  }
0xa4: {  	v8 =	vld [tilespmem:$0x1FFF0];
	v25 =	vadd.f32 v26, v25;
	v26 =	vmul.f32 v52, v63  }
0xa5: {  	v13 =	vadd.f32 v13, v14;
	v20 =	vadd.f32 v21, v20;
	v28, _, _ =	vpop (xrf2);
	(xrf2) =	vadd.scan.msk.f32 $0xffff, v19;
	v21 =	vmul.f32 v29, v1;
	v29 =	vld [tilespmem:s19+$0x170]  }
0xa6: {  	v16 =	vadd.f32 v16, v17;
	v17 =	vmul.f32 v23, v2;
	v19 =	vld [tilespmem:s19+$0x2E0];
	v9 =	vadd.f32 v26, v25  }
0xa7: {  	v14 =	vld [tilespmem:s19+$0x3D0];
	v12 =	vadd.f32 v60, v13;
	v20 =	vadd.f32 v21, v20;
	v21 =	vmul.f32 v31, v63  }
0xa8: {  	v13 =	vmul.f32 v18, v2;
	v16 =	vadd.f32 v17, v16;
	v23, _, _ =	vpop (xrf2);
	v17 =	vmul.f32 v22, v1;
	v22 =	vld [tilespmem:s19+$0x2F0];
	(xrf2) =	vadd.scan.msk.f32 $0xffff, v9  }
0xa9: {  	v10 =	vadd.f32 v8, v0;
	v11 =	vadd.f32 v21, v20  }
0xaa: {  	v18 =	vld [tilespmem:s19+$0x3E0];
	v12 =	vadd.f32 v13, v12;
	v0 =	vadd.f32 v17, v16;
	v17 =	vmul.f32 v29, v63  }
0xab: {  	v8 =	vmul.f32 v61, v3;
	v13 =	vmul.f32 v19, v1;
	v55 =	vadd.f32 v62, v10;
	v15, _, _ =	vpop (xrf2);
	(xrf2) =	vadd.scan.msk.f32 $0xffff, v11  }
0xac: {  	v56 =	vadd.f32 v17, v0;
	v0 =	vmul.f32 v14, v2;
	v14 =	vld [tilespmem:s19+$0x3F0]  }
0xad: {  	v12 =	vadd.f32 v13, v12;
	v8 =	vadd.f32 v8, v55;
	v13 =	vmul.f32 v22, v63  }
0xae: {  	v16, _, _ =	vpop (xrf2);
	(xrf2) =	vadd.scan.msk.f32 $0xffff, v56  }
0xaf: {  	v58 =	vmul.f32 v18, v1;
	v57 =	vadd.f32 v13, v12;
	v8 =	vadd.f32 v0, v8;
	v59, _, _ =	vpop (xrf2)  }
0xb0: {  	v0 =	vbroadcast v16, $0xF;
	v11 =	vbroadcast v59, $0xF  }
0xb1: {  	v13 =	vbroadcast v15, $0xF;
	v8 =	vadd.f32 v58, v8;
	(xrf2) =	vadd.scan.msk.f32 $0xffff, v57;
	v60 =	vmul.f32 v14, v63  }
0xb2: {  	v62 =	vbroadcast v23, $0xF;
	v61 =	vsel vm0, v0, v11;
	v12, _, _ =	vpop (xrf2)  }
0xb3: {  	v9 =	vsel vm1, v61, v13;
	v8 =	vadd.f32 v60, v8;
	v0 =	vbroadcast v12, $0xF  }
0xb4: {  	v34 =	vbroadcast v28, $0xF;
	v9 =	vsel vm2, v9, v62  }
0xb5: {  	v9 =	vsel vm3, v9, v0;
	v0 =	vbroadcast v53, $0xF;
	v12, _, _ =	vpop (xrf2);
	(xrf2) =	vadd.scan.msk.f32 $0xffff, v8  }
0xb6: {  	v8 =	vsel vm4, v9, v34;
	v35 =	vbroadcast v12, $0xF  }
0xb7: {  	v36 =	vbroadcast v49, $0xF;
	v8 =	vsel vm5, v8, v0  }
0xb8: {  	v37 =	vbroadcast v24, $0xF;
	v38, _, _ =	vpop (xrf2);
	v8 =	vsel vm6, v8, v35  }
0xb9: {  	v39 =	vbroadcast v38, $0xF;
	v8 =	vsel vm7, v8, v36  }
0xba: {  	v40 =	vbroadcast v32, $0xF;
	v8 =	vsel vm8, v8, v37  }
0xbb: {  	v41 =	vbroadcast v30, $0xF;
	v42, _, _ =	vpop (xrf2);
	v8 =	vsel vm9, v8, v39  }
0xbc: {  	v0 =	vbroadcast v42, $0xF;
	v8 =	vsel vm10, v8, v40  }
0xbd: {  	v43 =	vbroadcast v27, $0xF;
	v8 =	vsel vm11, v8, v41  }
0xbe: {  	v8 =	vsel vm12, v8, v0  }
0xbf: {  	v8 =	vsel vm13, v8, v43;
	v44, _, _ =	vpop (xrf2)  }
0xc0: {  	s21 =	sshra.s32 s18, $0x2;
	v8 =	vsel vm14, v8, v44  }
0xc1: {  	s19 =	sadd.s32 $0x800, s19;
	[tilespmem:s21+$0x7100] =	vst v8  }
0xc2: {  	v9 =	vld [tilespmem:s19+$0x370]  }
0xc3: {  	v10 =	vld [tilespmem:s19+$0x360]  }
0xc4: {  	v0 =	vld [tilespmem:s19+$0x3C0]  }
0xc5: {  	v11 =	vld [tilespmem:s19+$0x270]  }
0xc6: {  	v12 =	vld [tilespmem:s19+$0x350]  }
0xc7: {  	v13 =	vld [tilespmem:s19+$0x3B0]  }
0xc8: {  	v15 =	vld [tilespmem:s19+$0x1F0]  }
0xc9: {  	v23 =	vld [tilespmem:s19+$0x260]  }
0xca: {  	v25 =	vld [tilespmem:s19+$0x340]  }
0xcb: {  	v26 =	vld [tilespmem:s19+$0x3A0]  }
0xcc: {  	v27 =	vld [tilespmem:s19+$0x1E0]  }
0xcd: {  	v31 =	vld [tilespmem:s19+$0x250]  }
0xce: {  	v32 =	vld [tilespmem:s19+$0x2C0]  }
0xcf: {  	v30 =	vld [tilespmem:s19+$0x330]  }
0xd0: {  	v33 =	vld [tilespmem:s19+$0x380]  }
0xd1: {  	v34 =	vld [tilespmem:s19+$0x390]  }
0xd2: {  	v35 =	vld [tilespmem:s19+$0xF0]  }
0xd3: {  	v36 =	vld [tilespmem:s19+$0x1D0]  }
0xd4: {  	v37 =	vld [tilespmem:s19+$0x240]  }
0xd5: {  	v38 =	vld [tilespmem:s19+$0x2B0]  }
0xd6: {  	v39 =	vld [tilespmem:s19+$0x320]  }
0xd7: {  	v40 =	vld [tilespmem:s19+$0x70]  }
0xd8: {  	v41 =	vld [tilespmem:s19+$0xE0]  }
0xd9: {  	v42 =	vld [tilespmem:s19+$0x1C0]  }
0xda: {  	v43 =	vld [tilespmem:s19+$0x230]  }
0xdb: {  	v44 =	vld [tilespmem:s19+$0x2A0]  }
0xdc: {  	v45 =	vld [tilespmem:s19+$0x300]  }
0xdd: {  	v46 =	vld [tilespmem:s19+$0x310]  }
0xde: {  	v47 =	vld [tilespmem:s19+$0x60]  }
0xdf: {  	v17 =	vld [tilespmem:s19+$0xD0]  }
0xe0: {  	v16 =	vld [tilespmem:s19+$0x140]  }
0xe1: {  	v48 =	vld [tilespmem:s19+$0x1B0]  }
0xe2: {  	v49 =	vld [tilespmem:s19+$0x220]  }
0xe3: {  	v50 =	vld [tilespmem:s19+$0x280]  }
0xe4: {  	v51 =	vld [tilespmem:s19+$0x290]  }
0xe5: {  	v52 =	vld [tilespmem:s19+$0xFFFFFF70]  }
0xe6: {  	v53 =	vld [tilespmem:s19+$0x50]  }
0xe7: {  	v54 =	vld [tilespmem:s19+$0xC0]  }
0xe8: {  	v18 =	vld [tilespmem:s19+$0x130]  }
0xe9: {  	v55 =	vld [tilespmem:s19+$0x1A0]  }
0xea: {  	v56 =	vld [tilespmem:s19+$0x200]  }
0xeb: {  	v57 =	vld [tilespmem:s19+$0x210]  }
0xec: {  	v58 =	vld [tilespmem:s19+$0xFFFFFEF0]  }
0xed: {  	v28 =	vld [tilespmem:s19+$0xFFFFFF60]  }
0xee: {  	v29 =	vld [tilespmem:s19+$0x40]  }
0xef: {  	v24 =	vld [tilespmem:s19+$0xB0]  }
0xf0: {  	v8 =	vld [tilespmem:s19+$0xFFFFFFC0]  }
0xf1: {  	v19 =	vld [tilespmem:s19+$0x120]  }
0xf2: {  	v59 =	vld [tilespmem:s19+$0x180]  }
0xf3: {  	v60 =	vld [tilespmem:s19+$0x190]  }
0xf4: {  	v22 =	vld [tilespmem:s19+$0xFFFFFEE0];
	[tilespmem:$0x1FFC0] =	vst v0;
	v61 =	vmul.f32 v10, v1;
	v0 =	vmul.f32 v9, v63  }
0xf5: {  	v20 =	vld [tilespmem:s19+$0xFFFFFF50];
	[tilespmem:$0x1FFB0] =	vst v8;
	v8 =	vmul.f32 v11, v63;
	v10 =	vmul.f32 v12, v2  }
0xf6: {  	v21 =	vld [tilespmem:s19+$0x30];
	v11 =	vmul.f32 v45, v6;
	v12 =	vmul.f32 v46, v7  }
0xf7: {  	v14 =	vld [tilespmem:s19+$0x100];
	v46 =	vmul.f32 v15, v63;
	v62 =	vmul.f32 v13, v4  }
0xf8: {  	v45 =	vld [tilespmem:s19+$0xA0];
	v9 =	vmul.f32 v23, v1;
	v13 =	vmul.f32 v39, v5  }
0xf9: {  	v39 =	vld [tilespmem:s19+$0x110];
	v23 =	vmul.f32 v30, v4;
	v56 =	vmul.f32 v56, v6  }
0xfa: {  	v30 =	vld [tilespmem:s19+$0xFFFFFED0];
	v57 =	vmul.f32 v57, v7;
	v12 =	vadd.f32 v12, v11;
	v11 =	vmul.f32 v26, v5  }
0xfb: {  	v15 =	vmul.f32 v25, v3;
	v25 =	vmul.f32 v32, v3;
	v32 =	vld [tilespmem:s19+$0xFFFFFF40]  }
0xfc: {  	v49 =	vmul.f32 v49, v5;
	v26 =	vld [tilespmem:s19+$0xFFFFFDF0];
	v56 =	vadd.f32 v57, v56;
	[tilespmem:$0x1FFF0] =	vst v11;
	v11 =	vmul.f32 v27, v1  }
0xfd: {  	v57 =	vld [tilespmem:s19+$0xFFFFFFA0];
	v13 =	vadd.f32 v13, v12;
	v12 =	vmul.f32 v31, v2;
	v27 =	vmul.f32 v33, v6  }
0xfe: {  	v31 =	vmul.f32 v34, v7;
	v33 =	vld [tilespmem:s19+$0xFFFFFFB0];
	v34 =	vmul.f32 v36, v2  }
0xff: {  	[tilespmem:$0x1FFD0] =	vst v25;
	v36 =	vld [tilespmem:s19+$0x20];
	v25 =	vadd.f32 v23, v13;
	v23 =	vmul.f32 v35, v63;
	v35 =	vmul.f32 v37, v3  }
0x100: {  	v49 =	vadd.f32 v49, v56;
	v56 =	vld [tilespmem:s19+$0x0];
	v13 =	vmul.f32 v38, v4;
	v38 =	vmul.f32 v41, v1  }
0x101: {  	v37 =	vld [tilespmem:s19+$0x80];
	v41 =	vmul.f32 v42, v3;
	v42 =	vmul.f32 v43, v4  }
0x102: {  	v43 =	vld [tilespmem:s19+$0xFFFFFD70];
	v15 =	vadd.f32 v15, v25  }
0x103: {  	v25 =	vmul.f32 v40, v63;
	v40 =	vld [tilespmem:s19+$0x90];
	v42 =	vadd.f32 v42, v49  }
0x104: {  	v55 =	vmul.f32 v55, v5;
	v49 =	vld [tilespmem:s19+$0xFFFFFC70];
	v15 =	vadd.f32 v10, v15;
	v10 =	vadd.f32 v31, v27  }
0x105: {  	v31 =	vmul.f32 v60, v7;
	v60 =	vld [tilespmem:s19+$0xFFFFFEC0];
	v42 =	vadd.f32 v35, v42;
	v35 =	vmul.f32 v58, v63  }
0x106: {  	v58 =	vmul.f32 v56, v6;
	v56 =	vmul.f32 v32, v3;
	v32 =	vld [tilespmem:s19+$0xFFFFFD30]  }
0x107: {  	v47 =	vmul.f32 v47, v1;
	v27 =	vmul.f32 v59, v6;
	[tilespmem:$0x1FFE0] =	vst v10;
	v10 =	vld [tilespmem:s19+$0xFFFFFDE0]  }
0x108: {  	v50 =	vmul.f32 v50, v6;
	v59 =	vadd.f32 v61, v15;
	v15 =	vmul.f32 v44, v5;
	v44 =	vld [tilespmem:s19+$0xFFFFFF30]  }
0x109: {  	v51 =	vmul.f32 v51, v7;
	v27 =	vadd.f32 v31, v27;
	v12 =	vadd.f32 v12, v42;
	v42 =	vld [tilespmem:s19+$0xFFFFFF20]  }
0x10a: {  	v48 =	vmul.f32 v48, v4;
	v16 =	vmul.f32 v16, v3;
	v31 =	vadd.f32 v0, v59;
	v59 =	vld [tilespmem:s19+$0x10]  }
0x10b: {  	v37 =	vmul.f32 v37, v6;
	v55 =	vadd.f32 v55, v27;
	v0 =	vadd.f32 v51, v50;
	v50 =	vld [tilespmem:s19+$0xFFFFFD60]  }
0x10c: {  	v40 =	vmul.f32 v40, v7;
	v51 =	vmul.f32 v53, v2;
	v53 =	vld [tilespmem:s19+$0xFFFFFDD0]  }
0x10d: {  	v29 =	vmul.f32 v29, v3;
	v9 =	vadd.f32 v9, v12;
	v12 =	vld [tilespmem:s19+$0xFFFFFF90];
	v48 =	vadd.f32 v48, v55  }
0x10e: {  	v24 =	vmul.f32 v24, v4;
	v19 =	vmul.f32 v19, v5;
	v37 =	vadd.f32 v40, v37;
	v40 =	vld [tilespmem:s19+$0xFFFFFE90]  }
0x10f: {  	v45 =	vmul.f32 v45, v5;
	v27 =	vmul.f32 v52, v63;
	v55 =	vld [tilespmem:s19+$0xFFFFFF00];
	v41 =	vadd.f32 v41, v48  }
0x110: {  	v52 =	vmul.f32 v54, v3;
	v9 =	vadd.f32 v8, v9;
	v8 =	vmul.f32 v14, v6;
	v14 =	vld [tilespmem:$0x1FFB0]  }
0x111: {  	v54 =	vmul.f32 v28, v1;
	v28 =	vadd.f32 v45, v37;
	v45 =	vld [tilespmem:s19+$0xFFFFFD50];
	v34 =	vadd.f32 v34, v41  }
0x112: {  	v21 =	vmul.f32 v21, v4;
	v37 =	vmul.f32 v30, v2;
	v30 =	vld [tilespmem:s19+$0xFFFFFEA0]  }
0x113: {  	v61 =	vmul.f32 v17, v2;
	v48 =	vld [tilespmem:s19+$0xFFFFFEB0];
	v59 =	vmul.f32 v59, v7;
	v11 =	vadd.f32 v11, v34  }
0x114: {  	v17 =	vmul.f32 v18, v4;
	v24 =	vadd.f32 v24, v28;
	v28 =	vmul.f32 v36, v5;
	v36 =	vld [tilespmem:s19+$0xFFFFFF10]  }
0x115: {  	v41 =	vld [tilespmem:s19+$0xFFFFFF80];
	v11 =	vadd.f32 v46, v11;
	v46 =	vmul.f32 v22, v1;
	v22 =	vadd.f32 v59, v58  }
0x116: {  	(xrf2) =	vadd.scan.msk.f32 $0xffff, v31;
	v12 =	vmul.f32 v12, v7;
	v31 =	vmul.f32 v50, v1;
	v24 =	vadd.f32 v52, v24;
	v34 =	vld [tilespmem:s19+$0xFFFFFC60]  }
0x117: {  	v52 =	vmul.f32 v20, v2;
	v58 =	vmul.f32 v39, v7;
	v39 =	vld [tilespmem:s19+$0xFFFFFE80];
	v22 =	vadd.f32 v28, v22  }
0x118: {  	v20 =	vmul.f32 v14, v3;
	v30 =	vmul.f32 v30, v5;
	v28 =	vadd.f32 v61, v24;
	v61 =	vld [tilespmem:$0x1FFC0]  }
0x119: {  	v18 =	vadd.f32 v58, v8;
	v8 =	vld [tilespmem:s19+$0xFFFFFDC0];
	v24 =	vmul.f32 v26, v63;
	v26 =	vadd.f32 v21, v22  }
0x11a: {  	v21 =	vmul.f32 v33, v4;
	v59 =	vadd.f32 v38, v28;
	v33 =	vld [tilespmem:s19+$0xFFFFFC50];
	v22 =	vmul.f32 v43, v63  }
0x11b: {  	v38 =	vld [tilespmem:s19+$0xFFFFFD40];
	v58 =	vadd.f32 v29, v26;
	v26 =	vmul.f32 v55, v6;
	v29 =	vmul.f32 v36, v7  }
0x11c: {  	v43 =	vld [tilespmem:s19+$0xFFFFFDB0];
	v55 =	vadd.f32 v23, v59;
	v23 =	vmul.f32 v39, v6;
	v59 =	vmul.f32 v40, v7  }
0x11d: {  	v28 =	vmul.f32 v10, v1;
	v40 =	vmul.f32 v60, v3;
	v60 =	vld [tilespmem:$0x1FFD0];
	v10 =	vadd.f32 v51, v58  }
0x11e: {  	v26 =	vadd.f32 v29, v26;
	v29 =	vmul.f32 v42, v5;
	v51 =	vld [tilespmem:s19+$0xFFFFFDA0];
	v36 =	vadd.f32 v59, v23  }
0x11f: {  	v23 =	vmul.f32 v57, v5;
	v57 =	vmul.f32 v48, v4;
	v59 =	vld [tilespmem:s19+$0xFFFFFD90]  }
0x120: {  	v26 =	vadd.f32 v29, v26;
	v29 =	vmul.f32 v44, v4;
	v44 =	vld [tilespmem:s19+$0xFFFFFD80];
	v36 =	vadd.f32 v30, v36  }
0x121: {  	v39 =	vld [tilespmem:s19+$0xFFFFFE10];
	v33 =	vmul.f32 v33, v2;
	v38 =	vmul.f32 v38, v3;
	v10 =	vadd.f32 v47, v10  }
0x122: {  	v58 =	vld [tilespmem:s19+$0xFFFFFE00];
	v26 =	vadd.f32 v29, v26;
	v29 =	vmul.f32 v41, v6;
	v47 =	vadd.f32 v57, v36  }
0x123: {  	v48 =	vld [tilespmem:s19+$0xFFFFFD00];
	v30 =	vadd.f32 v25, v10;
	v25 =	vmul.f32 v49, v63;
	v36 =	vmul.f32 v53, v2  }
0x124: {  	v42 =	vld [tilespmem:s19+$0xFFFFFC00];
	v10 =	vmul.f32 v59, v7;
	v50 =	vadd.f32 v56, v26;
	v53 =	vadd.f32 v40, v47  }
0x125: {  	p0 =	sne.s32 s20, $0x340;
	v57 =	vmul.f32 v51, v5;
	v26 =	vadd.f32 v12, v29;
	v12 =	vld [tilespmem:s19+$0xFFFFFD10];
	v56 =	vmul.f32 v44, v6  }
.Ltmp0:
0x126: {  	v41 =	vld [tilespmem:s19+$0xFFFFFD20];
	v40 =	vmul.f32 v8, v3;
	v8 =	vadd.f32 v52, v50;
	v37 =	vadd.f32 v37, v53;
	(pc) =	sbr.rel @p0 .LBB2_3-.Ltmp0, $4  }
0x127: {  	(xrf2) =	vadd.scan.msk.f32 $0xffff, v9;
	v29 =	vmul.f32 v34, v1;
	v34 =	vmul.f32 v45, v2;
	v45 =	vld [tilespmem:s19+$0xFFFFFC10];
	v9 =	vadd.f32 v10, v56  }
0x128: {  	v47 =	vmul.f32 v43, v4;
	v43 =	vld [tilespmem:s19+$0xFFFFFC20];
	v8 =	vadd.f32 v54, v8;
	v59 =	vadd.f32 v46, v37  }
0x129: {  	(xrf2) =	vadd.scan.msk.f32 $0xffff, v11;
	v44 =	vld [tilespmem:s19+$0xFFFFFC80];
	v50 =	vmul.f32 v48, v6;
	v48 =	vmul.f32 v58, v6;
	v49 =	vadd.f32 v57, v9  }
0x12a: {  	s18 =	smov.u32 s20;
	s20 =	sadd.s32 $0x40, s20;
	(xrf2) =	vadd.scan.msk.f32 $0xffff, v55;
	v46 =	vld [tilespmem:s19+$0xFFFFFC90];
	v51 =	vmul.f32 v12, v7;
	v37 =	vadd.f32 v27, v8;
	v35 =	vadd.f32 v35, v59  }
0x12b: {  	v8 =	vld [tilespmem:s19+$0xFFFFFC30]  }
0x12c: {  	v10 =	vmul.f32 v41, v5;
	v11 =	vmul.f32 v39, v7;
	v54 =	vld [tilespmem:s19+$0xFFFFFCA0]  }
0x12d: {  	v12 =	vmul.f32 v42, v6;
	v55 =	vadd.f32 v47, v49;
	v56 =	vld [tilespmem:s19+$0xFFFFFC40];
	v27 =	vmul.f32 v45, v7  }
0x12e: {  	v57 =	vmul.f32 v32, v4;
	v59 =	vld [tilespmem:s19+$0xFFFFFCB0];
	v23 =	vadd.f32 v23, v26;
	v9 =	vadd.f32 v51, v50  }
0x12f: {  	v47 =	vld [tilespmem:s19+$0xFFFFFCC0];
	v11 =	vadd.f32 v11, v48;
	v58 =	vmul.f32 v43, v5;
	v12 =	vadd.f32 v27, v12  }
0x130: {  	v49 =	vld [tilespmem:s19+$0xFFFFFE30];
	v40 =	vadd.f32 v40, v55;
	v44 =	vmul.f32 v44, v6;
	v45 =	vmul.f32 v46, v7  }
0x131: {  	v9 =	vadd.f32 v10, v9;
	v46 =	vld [tilespmem:s19+$0xFFFFFE20];
	v12 =	vadd.f32 v58, v12;
	v8 =	vmul.f32 v8, v4  }
0x132: {  	v53 =	vld [tilespmem:s19+$0xFFFFFE40];
	v36 =	vadd.f32 v36, v40;
	v48 =	vmul.f32 v54, v5;
	v6 =	vadd.f32 v45, v44  }
0x133: {  	v51 =	vld [tilespmem:s19+$0xFFFFFCD0];
	v9 =	vadd.f32 v57, v9;
	v50 =	vmul.f32 v56, v3;
	v8 =	vadd.f32 v8, v12  }
0x134: {  	v52 =	vmul.f32 v59, v4;
	v54 =	vld [tilespmem:s19+$0xFFFFFCE0];
	v28 =	vadd.f32 v28, v36;
	v6 =	vadd.f32 v48, v6  }
0x135: {  	v43 =	vld [tilespmem:s19+$0x160];
	v56 =	vmul.f32 v47, v3;
	v9 =	vadd.f32 v38, v9;
	v8 =	vadd.f32 v50, v8  }
0x136: {  	v57 =	vld [tilespmem:s19+$0xFFFFFE50];
	v24 =	vadd.f32 v24, v28;
	v55 =	vmul.f32 v46, v5;
	v6 =	vadd.f32 v52, v6  }
0x137: {  	v58 =	vld [tilespmem:s19+$0xFFFFFCF0];
	v59 =	vmul.f32 v49, v4;
	v9 =	vadd.f32 v34, v9;
	v8 =	vadd.f32 v33, v8  }
0x138: {  	v40 =	vld [tilespmem:s19+$0xFFFFFFF0];
	v14 =	vmul.f32 v51, v2;
	v5 =	vadd.f32 v55, v11;
	v6 =	vadd.f32 v56, v6  }
0x139: {  	v28 =	vld [tilespmem:s19+$0xFFFFFE60];
	v32 =	vmul.f32 v54, v1;
	v9 =	vadd.f32 v31, v9;
	v8 =	vadd.f32 v29, v8  }
0x13a: {  	v31 =	vld [tilespmem:s19+$0xFFFFFFD0];
	v4 =	vadd.f32 v59, v5;
	v29 =	vmul.f32 v53, v3;
	v6 =	vadd.f32 v14, v6  }
0x13b: {  	(xrf2) =	vadd.scan.msk.f32 $0xffff, v30;
	v18 =	vadd.f32 v19, v18;
	v21 =	vadd.f32 v21, v23;
	v34 =	vmul.f32 v57, v2;
	v33 =	vld [tilespmem:s19+$0xFFFFFE70]  }
0x13c: {  	(xrf2) =	vadd.scan.msk.f32 $0xffff, v37;
	v36 =	vld [tilespmem:s19+$0xFFFFFFE0];
	v37 =	vmul.f32 v58, v63;
	v4 =	vadd.f32 v29, v4;
	v6 =	vadd.f32 v32, v6  }
0x13d: {  	(xrf2) =	vadd.scan.msk.f32 $0xffff, v35;
	v38 =	vld [tilespmem:s19+$0x150];
	v9 =	vadd.f32 v22, v9;
	v8 =	vadd.f32 v25, v8  }
0x13e: {  	(xrf2) =	vadd.scan.msk.f32 $0xffff, v24;
	v57 =	vld [tilespmem:$0x1FFE0];
	v39 =	vmul.f32 v28, v1;
	v4 =	vadd.f32 v34, v4;
	v6 =	vadd.f32 v37, v6  }
0x13f: {  	v41 =	vadd.f32 v20, v21;
	v45 =	vadd.f32 v17, v18;
	v58 =	vld [tilespmem:$0x1FFF0];
	(xrf2) =	vadd.scan.msk.f32 $0xffff, v9;
	v42 =	vmul.f32 v31, v2  }
0x140: {  	v46 =	vld [tilespmem:s19+$0x2D0];
	v14 =	vadd.f32 v15, v0;
	v44 =	vmul.f32 v33, v63;
	(xrf2) =	vadd.scan.msk.f32 $0xffff, v8;
	v4 =	vadd.f32 v39, v4  }
0x141: {  	v17, _, _ =	vpop (xrf2);
	v48 =	vld [tilespmem:s19+$0x170];
	v47 =	vmul.f32 v36, v1;
	v7 =	vadd.f32 v42, v41;
	(xrf2) =	vadd.scan.msk.f32 $0xffff, v6  }
0x142: {  	v51 =	vld [tilespmem:s19+$0x2E0];
	v49 =	vadd.f32 v16, v45;
	v50 =	vmul.f32 v38, v2;
	v4 =	vadd.f32 v44, v4;
	v6, _, _ =	vpop (xrf2)  }
0x143: {  	v52 =	vmul.f32 v40, v63;
	v54 =	vld [tilespmem:s19+$0x3D0];
	v53 =	vadd.f32 v13, v14;
	v7 =	vadd.f32 v47, v7;
	v16, _, _ =	vpop (xrf2)  }
0x144: {  	v55 =	vmul.f32 v43, v1;
	v56 =	vld [tilespmem:s19+$0x2F0];
	v5 =	vadd.f32 v50, v49;
	v19 =	vadd.f32 v58, v57;
	(xrf2) =	vadd.scan.msk.f32 $0xffff, v4;
	v14, _, _ =	vpop (xrf2)  }
0x145: {  	v25 =	vmul.f32 v46, v2;
	v24 =	vadd.f32 v60, v53;
	v7 =	vadd.f32 v52, v7;
	v59, _, _ =	vpop (xrf2)  }
0x146: {  	v27 =	vmul.f32 v48, v63;
	v28 =	vmul.f32 v61, v3;
	v29 =	vld [tilespmem:s19+$0x3E0];
	v5 =	vadd.f32 v55, v5;
	v26, _, _ =	vpop (xrf2)  }
0x147: {  	v31 =	vmul.f32 v51, v1;
	v32 =	vadd.f32 v62, v19;
	v9 =	vadd.f32 v25, v24;
	(xrf2) =	vadd.scan.msk.f32 $0xffff, v7;
	v30, _, _ =	vpop (xrf2)  }
0x148: {  	v35 =	vld [tilespmem:s19+$0x3F0];
	v34 =	vmul.f32 v54, v2;
	v5 =	vadd.f32 v27, v5;
	v33, _, _ =	vpop (xrf2)  }
0x149: {  	v37 =	vmul.f32 v56, v63;
	v3 =	vadd.f32 v28, v32;
	v9 =	vadd.f32 v31, v9;
	v36, _, _ =	vpop (xrf2)  }
0x14a: {  	(xrf2) =	vadd.scan.msk.f32 $0xffff, v5;
	v38, _, _ =	vpop (xrf2)  }
0x14b: {  	v40 =	vmul.f32 v29, v1;
	v2 =	vadd.f32 v34, v3;
	v39 =	vadd.f32 v37, v9;
	v41, _, _ =	vpop (xrf2)  }
0x14c: {  	v42 =	vbroadcast v38, $0xF;
	v3 =	vbroadcast v41, $0xF  }
0x14d: {  	v44 =	vmul.f32 v35, v63;
	v1 =	vadd.f32 v40, v2;
	v43 =	vbroadcast v36, $0xF;
	(xrf2) =	vadd.scan.msk.f32 $0xffff, v39  }
0x14e: {  	v46 =	vbroadcast v33, $0xF;
	v47, _, _ =	vpop (xrf2);
	v45 =	vsel vm0, v42, v3  }
0x14f: {  	v0 =	vadd.f32 v44, v1;
	v5 =	vbroadcast v47, $0xF;
	v2 =	vsel vm1, v45, v43  }
0x150: {  	v49 =	vbroadcast v30, $0xF;
	v48 =	vsel vm2, v2, v46  }
0x151: {  	v50 =	vbroadcast v26, $0xF;
	(xrf2) =	vadd.scan.msk.f32 $0xffff, v0;
	v51, _, _ =	vpop (xrf2);
	v1 =	vsel vm3, v48, v5  }
0x152: {  	v53 =	vbroadcast v51, $0xF;
	v52 =	vsel vm4, v1, v49  }
0x153: {  	v54 =	vbroadcast v59, $0xF;
	v0 =	vsel vm5, v52, v50  }
0x154: {  	v55 =	vbroadcast v14, $0xF;
	v56, _, _ =	vpop (xrf2);
	v0 =	vsel vm6, v0, v53  }
0x155: {  	v57 =	vbroadcast v56, $0xF;
	v0 =	vsel vm7, v0, v54  }
0x156: {  	v58 =	vbroadcast v16, $0xF;
	v0 =	vsel vm8, v0, v55  }
0x157: {  	v59 =	vbroadcast v6, $0xF;
	v60, _, _ =	vpop (xrf2);
	v0 =	vsel vm9, v0, v57  }
0x158: {  	v61 =	vbroadcast v60, $0xF;
	v0 =	vsel vm10, v0, v58  }
0x159: {  	v62 =	vbroadcast v17, $0xF;
	v0 =	vsel vm11, v0, v59  }
0x15a: {  	s31 =	sshll.u32 s16, $0x4;
	v0 =	vsel vm12, v0, v61  }
0x15b: {  	s18 =	sshra.s32 s18, $0x2;
	s16 =	sadd.s32 $0x1, s16;
	s19 =	sand.u32 $0x70, s31;
	v63, _, _ =	vpop (xrf2);
	v0 =	vsel vm13, v0, v62  }
0x15c: {  	s17 =	sand.u32 $0x7FF00, s17;
	p0 =	sne.s32 s16, $0x200;
	s19 =	sadd.s32 s5, s19;
	v0 =	vsel vm14, v0, v63  }
.Ltmp1:
0x15d: {  	s17 =	sadd.s32 s17, s19;
	[tilespmem:s18+$0x7100] =	vst v0;
	(pc) =	sbr.rel @p0 .LBB2_2-.Ltmp1, $4  }
0x15e: {  	[hbm4b:s17+s9] =	stream.strided.scatter [tilespmem:s15], [sflag:$0x2], $0x100, s14, s9, $0x38;
	[tilespmem:$0x7200] =	vst v63  }
0x15f: {  	_ =	swait.ge [sflag:s8], $0x100  }
0x160: {  	[sflag:s8] =	ssyncset.done $0x0  }
0x161: {  	[sflag:s8] =	ssyncadd.s32 $0xFFFFFF00  }
0x162: {  	s2 =	sadd.s32 $0x1, s2  }
0x163: {  	p0 =	sne.s32 s2, s7  }
.Ltmp2:
0x164: {  	_ = 	snop;
	(pc) =	sbr.rel @p0 .LBB2_1-.Ltmp2, $1  }
0x165: {  	_ =	sdelay $0x3  }
0x166: {  	_ =	sfence.sel $0x180000  }
0x167: {  	[bflag:$0x0] =	sbarrier.arrive $0xFFFF  }
0x168: {  	p0 =	sne.s32 s3, $0x0;
	_ =	strace $0x90000047  }
0x169: {  	s0 =	sadd.s32 @!p0 $0x100000, s0;
	[bflag:$0x2] =	sbarrier.arrive $0xFFFF  }
0x16a: {  	[sflag:s0] =	ssyncadd.tile.s32 @!p0 $0x1;
	_ =	shalt  }
.Lfunc_end2:
_tile_overlayer_lowered:
.L_overlay_start_2:
0x16b: {  	(tag) =	ssettag $0x2  }
0x16c: {  	s0 =	rddreg [dreg:$0x0];
	s2 =	stileid.u32  }
0x16d: {  	s1 =	rddreg [dreg:$0x1];
	p0 =	sne.s32 s2, $0x0  }
0x16e: {  	s3 =	rddreg [dreg:$0x2];
	[bflag:$0x3] =	sbarrier.arrive $0xFFFF;
	s2 =	simm.s32 @!p0 $0x1C02  }
0x16f: {  	[timem:s3], [sflag:s2] =	dma.local @!p0 [hbm:s0], s1  }
0x170: {  	s0 =	simm.s32 @!p0 $0x2  }
0x171: {  	_ =	swait.ge @!p0 [sflag:s0], s1  }
0x172: {  	s1 =	ssub.s32 @!p0 $0x0, s1;
	[sflag:s0] =	ssyncset.done @!p0 $0x0  }
0x173: {  	[sflag:s0] =	ssyncadd.s32 @!p0 s1  }
0x174: {  	[bflag:$0x3] =	sbarrier.arrive $0xFFFF  }
0x175: {  	_ =	shalt  }

</sc_bundles>
